<compile_context>
chip_gen: v7x
topology: tpu7x:2x2x1
jax: 0.10.2.dev20260603
libtpu: 0.0.44.dev20260713+nightly
codegen_flags: <defaults>
</compile_context>

<pallas_src>
import functools

import jax
import jax.numpy as jnp
from jax import lax
from jax.experimental import pallas as pl
from jax.experimental.pallas import tpu as pltpu
from jax.experimental.pallas import tpu_sc as plsc

VOCAB = 1000000
DIM = 64
B = 16384
NEG = 20
NU = NEG + 1
NUP = 32
L = 16

NC = 2
NS = 16
NW = NC * NS
BPW = B // NW

C = 64
NCHUNK = BPW // C
SLEN = 112
NSTREAM = (C * NU) // SLEN
assert NSTREAM * SLEN == C * NU


def _hsum_vec(qs, iota):
    acc = jnp.zeros((L,), jnp.float32)
    for k, q in enumerate(qs):
        acc = jnp.where(iota == k, jnp.sum(q), acc)
    return acc


def _sc_scores():
    mesh = plsc.VectorSubcoreMesh(core_axis_name="c", subcore_axis_name="s")

    @functools.partial(
        pl.kernel,
        mesh=mesh,
        compiler_params=pltpu.CompilerParams(
            needs_layout_passes=False, use_tc_tiling_on_sc=False),
        out_type=jax.ShapeDtypeStruct((B, NUP), jnp.float32),
        scratch_types=[
            pltpu.VMEM((BPW,), jnp.int32),
            pltpu.VMEM((BPW * NU,), jnp.int32),
            pltpu.VMEM((C, DIM), jnp.float32),
            pltpu.VMEM((C * NU, DIM), jnp.float32),
            pltpu.VMEM((C, NUP), jnp.float32),
            pltpu.SemaphoreType.DMA,
        ],
    )
    def k(centers_hbm, idxu_hbm, v_hbm, u_hbm, out_hbm,
          idxc_v, idxu_v, vc_v, ur_v, sc_v, sem):
        wid = lax.axis_index("s") * NC + lax.axis_index("c")
        base = wid * BPW
        pltpu.sync_copy(centers_hbm.at[pl.ds(base, BPW)], idxc_v)
        pltpu.sync_copy(idxu_hbm.at[pl.ds(base * NU, BPW * NU)], idxu_v)

        iota = lax.iota(jnp.int32, L)

        def chunk_body(ci, carry):
            cb = ci * C
            cps = [pltpu.async_copy(v_hbm.at[idxc_v.at[pl.ds(cb, C)]], vc_v, sem)]
            for j in range(NSTREAM):
                cps.append(pltpu.async_copy(
                    u_hbm.at[idxu_v.at[pl.ds(cb * NU + j * SLEN, SLEN)]],
                    ur_v.at[pl.ds(j * SLEN, SLEN)], sem))
            for cp in cps:
                cp.wait()

            def elem(b, carry2):
                a0 = vc_v[b, pl.ds(0, L)]
                a1 = vc_v[b, pl.ds(L, L)]
                a2 = vc_v[b, pl.ds(2 * L, L)]
                a3 = vc_v[b, pl.ds(3 * L, L)]
                r0 = b * NU
                qs = []
                for kk in range(NU):
                    qs.append(a0 * ur_v[r0 + kk, pl.ds(0, L)]
                              + a1 * ur_v[r0 + kk, pl.ds(L, L)]
                              + a2 * ur_v[r0 + kk, pl.ds(2 * L, L)]
                              + a3 * ur_v[r0 + kk, pl.ds(3 * L, L)])
                sc_v[b, pl.ds(0, L)] = _hsum_vec(qs[:L], iota)
                sc_v[b, pl.ds(L, L)] = _hsum_vec(qs[L:], iota)
                return carry2

            lax.fori_loop(0, C, elem, 0)
            pltpu.sync_copy(sc_v, out_hbm.at[pl.ds(base + cb, C)])
            return carry

        lax.fori_loop(0, NCHUNK, chunk_body, 0)

    return k


_SC_SCORES = _sc_scores()

ROWS = (B * NUP) // 128


def _loss_body(s_ref, o_ref):
    s = s_ref[:]
    col = lax.broadcasted_iota(jnp.int32, (ROWS, 128), 1) % NUP
    is_pos = col == 0
    valid = col < NU
    t = jnp.where(is_pos, s, -s)
    term = jnp.where(valid, -jnp.log(jax.nn.sigmoid(t) + 1e-12), 0.0)
    o_ref[0, 0] = jnp.sum(term) * (1.0 / B)


def kernel(centers, pos, neg, V, U):
    centers = centers.astype(jnp.int32)
    idxu = jnp.concatenate(
        [pos.astype(jnp.int32)[:, None], neg.astype(jnp.int32)], axis=1
    ).reshape(-1)
    scores = _SC_SCORES(centers, idxu, V, U)
    s2 = scores.reshape(ROWS, 128)
    loss = pl.pallas_call(
        _loss_body,
        out_shape=jax.ShapeDtypeStruct((1, 1), jnp.float32),
        out_specs=pl.BlockSpec(memory_space=pltpu.SMEM),
    )(s2)
    return loss[0, 0]

# --- scband reference (transcript-rebuilt; emitter-appended) ---
"""Pipeline reference for scband-skip-gram-neg-5566277616121 (READ-ONLY COPY).

The authoritative reference and input builder live on the scoring server;
editing this copy changes nothing except your own understanding.
"""

import jax, jax.numpy as jnp
import numpy as np

VOCAB = 1000000
DIM = 64
B = 16384
NEG = 20


def setup_inputs(seed: int = 0) -> dict:
    key = jax.random.key(seed)
    k1, k2, k3, k4, k5 = jax.random.split(key, 5)
    centers = jax.random.randint(k1, (B,), 0, VOCAB, dtype=jnp.int64) if jax.config.jax_enable_x64 else jax.random.randint(k1, (B,), 0, VOCAB, dtype=jnp.int32)
    pos = jax.random.randint(k2, (B,), 0, VOCAB, dtype=centers.dtype)
    neg = jax.random.randint(k3, (B, NEG), 0, VOCAB, dtype=centers.dtype)
    # Learned parameters (per init_kwargs: vocab_size=1000000, dim=64).
    # V initialized uniform(-0.5/dim, 0.5/dim) as in the torch module; U uses a small
    # random init instead of zeros so forward/backward are numerically non-degenerate.
    V = jax.random.uniform(k4, (VOCAB, DIM), minval=-0.5 / DIM, maxval=0.5 / DIM, dtype=jnp.float32)
    U = jax.random.normal(k5, (VOCAB, DIM), dtype=jnp.float32) * 0.01
    return {"centers": centers, "pos": pos, "neg": neg, "V": V, "U": U}


def reference(centers, pos, neg, V, U):
    vc = jnp.take(V, centers, axis=0)          # [B, D]  embedding gather
    uo = jnp.take(U, pos, axis=0)              # [B, D]  embedding gather
    uk = jnp.take(U, neg, axis=0)              # [B, NEG, D] embedding gather
    pos_score = jnp.sum(vc * uo, axis=1)       # [B]
    pos_loss = -jnp.log(jax.nn.sigmoid(pos_score) + 1e-12)
    neg_score = jnp.einsum('bkd,bd->bk', uk, vc)  # bmm(uk, vc.unsqueeze(2)).squeeze(2)
    neg_loss = -jnp.sum(jnp.log(jax.nn.sigmoid(-neg_score) + 1e-12), axis=1)
    return jnp.mean(pos_loss + neg_loss)

if __name__ == "__main__":
    import jax
    _d = setup_inputs()
    print(jax.jit(kernel)(*tuple(_d.values())))

</pallas_src>

<mosaic_0001>
#map = affine_map<(d0, d1) -> (0)>
#map1 = affine_map<(d0, d1) -> (0, 0)>
module attributes {stable_mosaic.version = 14 : i64} {
  func.func @k(%arg0: i32, %arg1: i32, %arg2: memref<16384xi32, #tpu.memory_space<hbm>>, %arg3: memref<344064xi32, #tpu.memory_space<hbm>>, %arg4: memref<1000000x64xf32, #tpu.memory_space<hbm>>, %arg5: memref<1000000x64xf32, #tpu.memory_space<hbm>>, %arg6: memref<16384x32xf32, #tpu.memory_space<hbm>>, %arg7: memref<512xi32, #tpu.memory_space<vmem>>, %arg8: memref<10752xi32, #tpu.memory_space<vmem>>, %arg9: memref<64x64xf32, #tpu.memory_space<vmem>>, %arg10: memref<1344x64xf32, #tpu.memory_space<vmem>>, %arg11: memref<64x32xf32, #tpu.memory_space<vmem>>, %arg12: memref<!tpu.dma_semaphore, #tpu.memory_space<semaphore_mem>>) attributes {dimension_semantics = [#tpu.dimension_semantics<core_parallel>, #tpu.dimension_semantics<subcore_parallel>], iteration_bounds = array<i64: 2, 16>, scalar_prefetch = 0 : i64, scratch_operands = 6 : i64, tpu.core_type = #tpu.core_type<sc_vector_subcore>, window_params = [{transform_indices = #map}, {transform_indices = #map}, {transform_indices = #map1}, {transform_indices = #map1}, {transform_indices = #map1}]} {
    %mul3A = arith.constant 2 : i32
    %mul3A_0 = arith.muli %arg1, %mul3A : i32
    %add3A = arith.addi %mul3A_0, %arg0 : i32
    %mul3A_1 = arith.constant 512 : i32
    %mul3A_2 = arith.muli %add3A, %mul3A_1 : i32
    "tpu.region"() ({
      %run_scoped3A = tpu.sem_alloc : memref<!tpu.dma_semaphore, #tpu.memory_space<semaphore_mem>>
      %dma_start3A = tpu.memref_slice %arg2[%mul3A_2] : memref<16384xi32, #tpu.memory_space<hbm>> -> memref<512xi32, #tpu.memory_space<hbm>>
      %dma_start3A_10 = tpu.memref_slice %arg2[%mul3A_2] : memref<16384xi32, #tpu.memory_space<hbm>> -> memref<512xi32, #tpu.memory_space<hbm>>
      tpu.enqueue_dma source(%dma_start3A_10 : memref<512xi32, #tpu.memory_space<hbm>>) target(%arg7 : memref<512xi32, #tpu.memory_space<vmem>>) target_semaphore(%run_scoped3A : memref<!tpu.dma_semaphore, #tpu.memory_space<semaphore_mem>>)
      %dma_wait3A = tpu.memref_slice %arg2[%mul3A_2] : memref<16384xi32, #tpu.memory_space<hbm>> -> memref<512xi32, #tpu.memory_space<hbm>>
      %dma_wait3A_11 = tpu.memref_slice %arg2[%mul3A_2] : memref<16384xi32, #tpu.memory_space<hbm>> -> memref<512xi32, #tpu.memory_space<hbm>>
      tpu.wait_dma2 semaphore(%run_scoped3A : memref<!tpu.dma_semaphore, #tpu.memory_space<semaphore_mem>>) src(%dma_wait3A_11 : memref<512xi32, #tpu.memory_space<hbm>>) dst(%arg7 : memref<512xi32, #tpu.memory_space<vmem>>)
      tpu.yield
    }) : () -> ()
    %mul3A_3 = arith.constant 21 : i32
    %mul3A_4 = arith.muli %mul3A_2, %mul3A_3 : i32
    "tpu.region"() ({
      %run_scoped3A = tpu.sem_alloc : memref<!tpu.dma_semaphore, #tpu.memory_space<semaphore_mem>>
      %dma_start3A = tpu.memref_slice %arg3[%mul3A_4] : memref<344064xi32, #tpu.memory_space<hbm>> -> memref<10752xi32, #tpu.memory_space<hbm>>
      %dma_start3A_10 = tpu.memref_slice %arg3[%mul3A_4] : memref<344064xi32, #tpu.memory_space<hbm>> -> memref<10752xi32, #tpu.memory_space<hbm>>
      tpu.enqueue_dma source(%dma_start3A_10 : memref<10752xi32, #tpu.memory_space<hbm>>) target(%arg8 : memref<10752xi32, #tpu.memory_space<vmem>>) target_semaphore(%run_scoped3A : memref<!tpu.dma_semaphore, #tpu.memory_space<semaphore_mem>>)
      %dma_wait3A = tpu.memref_slice %arg3[%mul3A_4] : memref<344064xi32, #tpu.memory_space<hbm>> -> memref<10752xi32, #tpu.memory_space<hbm>>
      %dma_wait3A_11 = tpu.memref_slice %arg3[%mul3A_4] : memref<344064xi32, #tpu.memory_space<hbm>> -> memref<10752xi32, #tpu.memory_space<hbm>>
      tpu.wait_dma2 semaphore(%run_scoped3A : memref<!tpu.dma_semaphore, #tpu.memory_space<semaphore_mem>>) src(%dma_wait3A_11 : memref<10752xi32, #tpu.memory_space<hbm>>) dst(%arg8 : memref<10752xi32, #tpu.memory_space<vmem>>)
      tpu.yield
    }) : () -> ()
    %iota3A = tpu.iota {dimensions = array<i32: 0>} : vector<16xi32>
    %scan3A = arith.constant 0 : i32
    %scan3A_5 = arith.constant 0 : i32
    %scan3A_6 = arith.constant 8 : i32
    %scan3A_7 = arith.addi %scan3A_5, %scan3A_6 : i32
    %scan3A_8 = arith.constant 1 : i32
    scf.for %scan3A_10 = %scan3A_5 to %scan3A_7 step %scan3A_8  : i32 {
      %mul3A_11 = arith.constant 64 : i32
      %mul3A_12 = arith.muli %scan3A_10, %mul3A_11 : i32
      %dma_start3A = tpu.memref_slice %arg7[%mul3A_12] : memref<512xi32, #tpu.memory_space<vmem>> -> memref<64xi32, #tpu.memory_space<vmem>>
      %dma_start3A_13 = arith.constant 0 : i32
      %dma_start3A_14 = arith.constant 0 : i32
      %dma_start3A_15 = tpu.memref_slice %arg4[%dma_start3A_13, %dma_start3A_14] : memref<1000000x64xf32, #tpu.memory_space<hbm>> -> memref<1000000x64xf32, #tpu.memory_space<hbm>>
      tpu.enqueue_indirect_dma source(%dma_start3A_15 : memref<1000000x64xf32, #tpu.memory_space<hbm>>) target(%arg9 : memref<64x64xf32, #tpu.memory_space<vmem>>) offsets(%dma_start3A : memref<64xi32, #tpu.memory_space<vmem>>) semaphore(%arg12 : memref<!tpu.dma_semaphore, #tpu.memory_space<semaphore_mem>>)
      %mul3A_16 = arith.constant 21 : i32
      %mul3A_17 = arith.muli %mul3A_12, %mul3A_16 : i32
      %add3A_18 = arith.constant 0 : i32
      %add3A_19 = arith.addi %mul3A_17, %add3A_18 : i32
      %dma_start3A_20 = arith.constant 0 : i32
      %dma_start3A_21 = arith.constant 0 : i32
      %dma_start3A_22 = tpu.memref_slice %arg10[%dma_start3A_20, %dma_start3A_21] : memref<1344x64xf32, #tpu.memory_space<vmem>> -> memref<112x64xf32, #tpu.memory_space<vmem>>
      %dma_start3A_23 = tpu.memref_slice %arg8[%add3A_19] : memref<10752xi32, #tpu.memory_space<vmem>> -> memref<112xi32, #tpu.memory_space<vmem>>
      %dma_start3A_24 = arith.constant 0 : i32
      %dma_start3A_25 = arith.constant 0 : i32
      %dma_start3A_26 = tpu.memref_slice %arg5[%dma_start3A_24, %dma_start3A_25] : memref<1000000x64xf32, #tpu.memory_space<hbm>> -> memref<1000000x64xf32, #tpu.memory_space<hbm>>
      tpu.enqueue_indirect_dma source(%dma_start3A_26 : memref<1000000x64xf32, #tpu.memory_space<hbm>>) target(%dma_start3A_22 : memref<112x64xf32, #tpu.memory_space<vmem>>) offsets(%dma_start3A_23 : memref<112xi32, #tpu.memory_space<vmem>>) semaphore(%arg12 : memref<!tpu.dma_semaphore, #tpu.memory_space<semaphore_mem>>)
      %mul3A_27 = arith.constant 21 : i32
      %mul3A_28 = arith.muli %mul3A_12, %mul3A_27 : i32
      %add3A_29 = arith.constant 112 : i32
      %add3A_30 = arith.addi %mul3A_28, %add3A_29 : i32
      %dma_start3A_31 = arith.constant 112 : i32
      %dma_start3A_32 = arith.constant 0 : i32
      %dma_start3A_33 = tpu.memref_slice %arg10[%dma_start3A_31, %dma_start3A_32] : memref<1344x64xf32, #tpu.memory_space<vmem>> -> memref<112x64xf32, #tpu.memory_space<vmem>>
      %dma_start3A_34 = tpu.memref_slice %arg8[%add3A_30] : memref<10752xi32, #tpu.memory_space<vmem>> -> memref<112xi32, #tpu.memory_space<vmem>>
      %dma_start3A_35 = arith.constant 0 : i32
      %dma_start3A_36 = arith.constant 0 : i32
      %dma_start3A_37 = tpu.memref_slice %arg5[%dma_start3A_35, %dma_start3A_36] : memref<1000000x64xf32, #tpu.memory_space<hbm>> -> memref<1000000x64xf32, #tpu.memory_space<hbm>>
      tpu.enqueue_indirect_dma source(%dma_start3A_37 : memref<1000000x64xf32, #tpu.memory_space<hbm>>) target(%dma_start3A_33 : memref<112x64xf32, #tpu.memory_space<vmem>>) offsets(%dma_start3A_34 : memref<112xi32, #tpu.memory_space<vmem>>) semaphore(%arg12 : memref<!tpu.dma_semaphore, #tpu.memory_space<semaphore_mem>>)
      %mul3A_38 = arith.constant 21 : i32
      %mul3A_39 = arith.muli %mul3A_12, %mul3A_38 : i32
      %add3A_40 = arith.constant 224 : i32
      %add3A_41 = arith.addi %mul3A_39, %add3A_40 : i32
      %dma_start3A_42 = arith.constant 224 : i32
      %dma_start3A_43 = arith.constant 0 : i32
      %dma_start3A_44 = tpu.memref_slice %arg10[%dma_start3A_42, %dma_start3A_43] : memref<1344x64xf32, #tpu.memory_space<vmem>> -> memref<112x64xf32, #tpu.memory_space<vmem>>
      %dma_start3A_45 = tpu.memref_slice %arg8[%add3A_41] : memref<10752xi32, #tpu.memory_space<vmem>> -> memref<112xi32, #tpu.memory_space<vmem>>
      %dma_start3A_46 = arith.constant 0 : i32
      %dma_start3A_47 = arith.constant 0 : i32
      %dma_start3A_48 = tpu.memref_slice %arg5[%dma_start3A_46, %dma_start3A_47] : memref<1000000x64xf32, #tpu.memory_space<hbm>> -> memref<1000000x64xf32, #tpu.memory_space<hbm>>
      tpu.enqueue_indirect_dma source(%dma_start3A_48 : memref<1000000x64xf32, #tpu.memory_space<hbm>>) target(%dma_start3A_44 : memref<112x64xf32, #tpu.memory_space<vmem>>) offsets(%dma_start3A_45 : memref<112xi32, #tpu.memory_space<vmem>>) semaphore(%arg12 : memref<!tpu.dma_semaphore, #tpu.memory_space<semaphore_mem>>)
      %mul3A_49 = arith.constant 21 : i32
      %mul3A_50 = arith.muli %mul3A_12, %mul3A_49 : i32
      %add3A_51 = arith.constant 336 : i32
      %add3A_52 = arith.addi %mul3A_50, %add3A_51 : i32
      %dma_start3A_53 = arith.constant 336 : i32
      %dma_start3A_54 = arith.constant 0 : i32
      %dma_start3A_55 = tpu.memref_slice %arg10[%dma_start3A_53, %dma_start3A_54] : memref<1344x64xf32, #tpu.memory_space<vmem>> -> memref<112x64xf32, #tpu.memory_space<vmem>>
      %dma_start3A_56 = tpu.memref_slice %arg8[%add3A_52] : memref<10752xi32, #tpu.memory_space<vmem>> -> memref<112xi32, #tpu.memory_space<vmem>>
      %dma_start3A_57 = arith.constant 0 : i32
      %dma_start3A_58 = arith.constant 0 : i32
      %dma_start3A_59 = tpu.memref_slice %arg5[%dma_start3A_57, %dma_start3A_58] : memref<1000000x64xf32, #tpu.memory_space<hbm>> -> memref<1000000x64xf32, #tpu.memory_space<hbm>>
      tpu.enqueue_indirect_dma source(%dma_start3A_59 : memref<1000000x64xf32, #tpu.memory_space<hbm>>) target(%dma_start3A_55 : memref<112x64xf32, #tpu.memory_space<vmem>>) offsets(%dma_start3A_56 : memref<112xi32, #tpu.memory_space<vmem>>) semaphore(%arg12 : memref<!tpu.dma_semaphore, #tpu.memory_space<semaphore_mem>>)
      %mul3A_60 = arith.constant 21 : i32
      %mul3A_61 = arith.muli %mul3A_12, %mul3A_60 : i32
      %add3A_62 = arith.constant 448 : i32
      %add3A_63 = arith.addi %mul3A_61, %add3A_62 : i32
      %dma_start3A_64 = arith.constant 448 : i32
      %dma_start3A_65 = arith.constant 0 : i32
      %dma_start3A_66 = tpu.memref_slice %arg10[%dma_start3A_64, %dma_start3A_65] : memref<1344x64xf32, #tpu.memory_space<vmem>> -> memref<112x64xf32, #tpu.memory_space<vmem>>
      %dma_start3A_67 = tpu.memref_slice %arg8[%add3A_63] : memref<10752xi32, #tpu.memory_space<vmem>> -> memref<112xi32, #tpu.memory_space<vmem>>
      %dma_start3A_68 = arith.constant 0 : i32
      %dma_start3A_69 = arith.constant 0 : i32
      %dma_start3A_70 = tpu.memref_slice %arg5[%dma_start3A_68, %dma_start3A_69] : memref<1000000x64xf32, #tpu.memory_space<hbm>> -> memref<1000000x64xf32, #tpu.memory_space<hbm>>
      tpu.enqueue_indirect_dma source(%dma_start3A_70 : memref<1000000x64xf32, #tpu.memory_space<hbm>>) target(%dma_start3A_66 : memref<112x64xf32, #tpu.memory_space<vmem>>) offsets(%dma_start3A_67 : memref<112xi32, #tpu.memory_space<vmem>>) semaphore(%arg12 : memref<!tpu.dma_semaphore, #tpu.memory_space<semaphore_mem>>)
      %mul3A_71 = arith.constant 21 : i32
      %mul3A_72 = arith.muli %mul3A_12, %mul3A_71 : i32
      %add3A_73 = arith.constant 560 : i32
      %add3A_74 = arith.addi %mul3A_72, %add3A_73 : i32
      %dma_start3A_75 = arith.constant 560 : i32
      %dma_start3A_76 = arith.constant 0 : i32
      %dma_start3A_77 = tpu.memref_slice %arg10[%dma_start3A_75, %dma_start3A_76] : memref<1344x64xf32, #tpu.memory_space<vmem>> -> memref<112x64xf32, #tpu.memory_space<vmem>>
      %dma_start3A_78 = tpu.memref_slice %arg8[%add3A_74] : memref<10752xi32, #tpu.memory_space<vmem>> -> memref<112xi32, #tpu.memory_space<vmem>>
      %dma_start3A_79 = arith.constant 0 : i32
      %dma_start3A_80 = arith.constant 0 : i32
      %dma_start3A_81 = tpu.memref_slice %arg5[%dma_start3A_79, %dma_start3A_80] : memref<1000000x64xf32, #tpu.memory_space<hbm>> -> memref<1000000x64xf32, #tpu.memory_space<hbm>>
      tpu.enqueue_indirect_dma source(%dma_start3A_81 : memref<1000000x64xf32, #tpu.memory_space<hbm>>) target(%dma_start3A_77 : memref<112x64xf32, #tpu.memory_space<vmem>>) offsets(%dma_start3A_78 : memref<112xi32, #tpu.memory_space<vmem>>) semaphore(%arg12 : memref<!tpu.dma_semaphore, #tpu.memory_space<semaphore_mem>>)
      %mul3A_82 = arith.constant 21 : i32
      %mul3A_83 = arith.muli %mul3A_12, %mul3A_82 : i32
      %add3A_84 = arith.constant 672 : i32
      %add3A_85 = arith.addi %mul3A_83, %add3A_84 : i32
      %dma_start3A_86 = arith.constant 672 : i32
      %dma_start3A_87 = arith.constant 0 : i32
      %dma_start3A_88 = tpu.memref_slice %arg10[%dma_start3A_86, %dma_start3A_87] : memref<1344x64xf32, #tpu.memory_space<vmem>> -> memref<112x64xf32, #tpu.memory_space<vmem>>
      %dma_start3A_89 = tpu.memref_slice %arg8[%add3A_85] : memref<10752xi32, #tpu.memory_space<vmem>> -> memref<112xi32, #tpu.memory_space<vmem>>
      %dma_start3A_90 = arith.constant 0 : i32
      %dma_start3A_91 = arith.constant 0 : i32
      %dma_start3A_92 = tpu.memref_slice %arg5[%dma_start3A_90, %dma_start3A_91] : memref<1000000x64xf32, #tpu.memory_space<hbm>> -> memref<1000000x64xf32, #tpu.memory_space<hbm>>
      tpu.enqueue_indirect_dma source(%dma_start3A_92 : memref<1000000x64xf32, #tpu.memory_space<hbm>>) target(%dma_start3A_88 : memref<112x64xf32, #tpu.memory_space<vmem>>) offsets(%dma_start3A_89 : memref<112xi32, #tpu.memory_space<vmem>>) semaphore(%arg12 : memref<!tpu.dma_semaphore, #tpu.memory_space<semaphore_mem>>)
      %mul3A_93 = arith.constant 21 : i32
      %mul3A_94 = arith.muli %mul3A_12, %mul3A_93 : i32
      %add3A_95 = arith.constant 784 : i32
      %add3A_96 = arith.addi %mul3A_94, %add3A_95 : i32
      %dma_start3A_97 = arith.constant 784 : i32
      %dma_start3A_98 = arith.constant 0 : i32
      %dma_start3A_99 = tpu.memref_slice %arg10[%dma_start3A_97, %dma_start3A_98] : memref<1344x64xf32, #tpu.memory_space<vmem>> -> memref<112x64xf32, #tpu.memory_space<vmem>>
      %dma_start3A_100 = tpu.memref_slice %arg8[%add3A_96] : memref<10752xi32, #tpu.memory_space<vmem>> -> memref<112xi32, #tpu.memory_space<vmem>>
      %dma_start3A_101 = arith.constant 0 : i32
      %dma_start3A_102 = arith.constant 0 : i32
      %dma_start3A_103 = tpu.memref_slice %arg5[%dma_start3A_101, %dma_start3A_102] : memref<1000000x64xf32, #tpu.memory_space<hbm>> -> memref<1000000x64xf32, #tpu.memory_space<hbm>>
      tpu.enqueue_indirect_dma source(%dma_start3A_103 : memref<1000000x64xf32, #tpu.memory_space<hbm>>) target(%dma_start3A_99 : memref<112x64xf32, #tpu.memory_space<vmem>>) offsets(%dma_start3A_100 : memref<112xi32, #tpu.memory_space<vmem>>) semaphore(%arg12 : memref<!tpu.dma_semaphore, #tpu.memory_space<semaphore_mem>>)
      %mul3A_104 = arith.constant 21 : i32
      %mul3A_105 = arith.muli %mul3A_12, %mul3A_104 : i32
      %add3A_106 = arith.constant 896 : i32
      %add3A_107 = arith.addi %mul3A_105, %add3A_106 : i32
      %dma_start3A_108 = arith.constant 896 : i32
      %dma_start3A_109 = arith.constant 0 : i32
      %dma_start3A_110 = tpu.memref_slice %arg10[%dma_start3A_108, %dma_start3A_109] : memref<1344x64xf32, #tpu.memory_space<vmem>> -> memref<112x64xf32, #tpu.memory_space<vmem>>
      %dma_start3A_111 = tpu.memref_slice %arg8[%add3A_107] : memref<10752xi32, #tpu.memory_space<vmem>> -> memref<112xi32, #tpu.memory_space<vmem>>
      %dma_start3A_112 = arith.constant 0 : i32
      %dma_start3A_113 = arith.constant 0 : i32
      %dma_start3A_114 = tpu.memref_slice %arg5[%dma_start3A_112, %dma_start3A_113] : memref<1000000x64xf32, #tpu.memory_space<hbm>> -> memref<1000000x64xf32, #tpu.memory_space<hbm>>
      tpu.enqueue_indirect_dma source(%dma_start3A_114 : memref<1000000x64xf32, #tpu.memory_space<hbm>>) target(%dma_start3A_110 : memref<112x64xf32, #tpu.memory_space<vmem>>) offsets(%dma_start3A_111 : memref<112xi32, #tpu.memory_space<vmem>>) semaphore(%arg12 : memref<!tpu.dma_semaphore, #tpu.memory_space<semaphore_mem>>)
      %mul3A_115 = arith.constant 21 : i32
      %mul3A_116 = arith.muli %mul3A_12, %mul3A_115 : i32
      %add3A_117 = arith.constant 1008 : i32
      %add3A_118 = arith.addi %mul3A_116, %add3A_117 : i32
      %dma_start3A_119 = arith.constant 1008 : i32
      %dma_start3A_120 = arith.constant 0 : i32
      %dma_start3A_121 = tpu.memref_slice %arg10[%dma_start3A_119, %dma_start3A_120] : memref<1344x64xf32, #tpu.memory_space<vmem>> -> memref<112x64xf32, #tpu.memory_space<vmem>>
      %dma_start3A_122 = tpu.memref_slice %arg8[%add3A_118] : memref<10752xi32, #tpu.memory_space<vmem>> -> memref<112xi32, #tpu.memory_space<vmem>>
      %dma_start3A_123 = arith.constant 0 : i32
      %dma_start3A_124 = arith.constant 0 : i32
      %dma_start3A_125 = tpu.memref_slice %arg5[%dma_start3A_123, %dma_start3A_124] : memref<1000000x64xf32, #tpu.memory_space<hbm>> -> memref<1000000x64xf32, #tpu.memory_space<hbm>>
      tpu.enqueue_indirect_dma source(%dma_start3A_125 : memref<1000000x64xf32, #tpu.memory_space<hbm>>) target(%dma_start3A_121 : memref<112x64xf32, #tpu.memory_space<vmem>>) offsets(%dma_start3A_122 : memref<112xi32, #tpu.memory_space<vmem>>) semaphore(%arg12 : memref<!tpu.dma_semaphore, #tpu.memory_space<semaphore_mem>>)
      %mul3A_126 = arith.constant 21 : i32
      %mul3A_127 = arith.muli %mul3A_12, %mul3A_126 : i32
      %add3A_128 = arith.constant 1120 : i32
      %add3A_129 = arith.addi %mul3A_127, %add3A_128 : i32
      %dma_start3A_130 = arith.constant 1120 : i32
      %dma_start3A_131 = arith.constant 0 : i32
      %dma_start3A_132 = tpu.memref_slice %arg10[%dma_start3A_130, %dma_start3A_131] : memref<1344x64xf32, #tpu.memory_space<vmem>> -> memref<112x64xf32, #tpu.memory_space<vmem>>
      %dma_start3A_133 = tpu.memref_slice %arg8[%add3A_129] : memref<10752xi32, #tpu.memory_space<vmem>> -> memref<112xi32, #tpu.memory_space<vmem>>
      %dma_start3A_134 = arith.constant 0 : i32
      %dma_start3A_135 = arith.constant 0 : i32
      %dma_start3A_136 = tpu.memref_slice %arg5[%dma_start3A_134, %dma_start3A_135] : memref<1000000x64xf32, #tpu.memory_space<hbm>> -> memref<1000000x64xf32, #tpu.memory_space<hbm>>
      tpu.enqueue_indirect_dma source(%dma_start3A_136 : memref<1000000x64xf32, #tpu.memory_space<hbm>>) target(%dma_start3A_132 : memref<112x64xf32, #tpu.memory_space<vmem>>) offsets(%dma_start3A_133 : memref<112xi32, #tpu.memory_space<vmem>>) semaphore(%arg12 : memref<!tpu.dma_semaphore, #tpu.memory_space<semaphore_mem>>)
      %mul3A_137 = arith.constant 21 : i32
      %mul3A_138 = arith.muli %mul3A_12, %mul3A_137 : i32
      %add3A_139 = arith.constant 1232 : i32
      %add3A_140 = arith.addi %mul3A_138, %add3A_139 : i32
      %dma_start3A_141 = arith.constant 1232 : i32
      %dma_start3A_142 = arith.constant 0 : i32
      %dma_start3A_143 = tpu.memref_slice %arg10[%dma_start3A_141, %dma_start3A_142] : memref<1344x64xf32, #tpu.memory_space<vmem>> -> memref<112x64xf32, #tpu.memory_space<vmem>>
      %dma_start3A_144 = tpu.memref_slice %arg8[%add3A_140] : memref<10752xi32, #tpu.memory_space<vmem>> -> memref<112xi32, #tpu.memory_space<vmem>>
      %dma_start3A_145 = arith.constant 0 : i32
      %dma_start3A_146 = arith.constant 0 : i32
      %dma_start3A_147 = tpu.memref_slice %arg5[%dma_start3A_145, %dma_start3A_146] : memref<1000000x64xf32, #tpu.memory_space<hbm>> -> memref<1000000x64xf32, #tpu.memory_space<hbm>>
      tpu.enqueue_indirect_dma source(%dma_start3A_147 : memref<1000000x64xf32, #tpu.memory_space<hbm>>) target(%dma_start3A_143 : memref<112x64xf32, #tpu.memory_space<vmem>>) offsets(%dma_start3A_144 : memref<112xi32, #tpu.memory_space<vmem>>) semaphore(%arg12 : memref<!tpu.dma_semaphore, #tpu.memory_space<semaphore_mem>>)
      %dma_wait3A = tpu.memref_slice %arg7[%mul3A_12] : memref<512xi32, #tpu.memory_space<vmem>> -> memref<64xi32, #tpu.memory_space<vmem>>
      %dma_wait3A_148 = arith.constant 0 : i32
      %dma_wait3A_149 = arith.constant 0 : i32
      %dma_wait3A_150 = tpu.memref_slice %arg4[%dma_wait3A_148, %dma_wait3A_149] : memref<1000000x64xf32, #tpu.memory_space<hbm>> -> memref<1000000x64xf32, #tpu.memory_space<hbm>>
      tpu.wait_indirect_dma semaphore(%arg12 : memref<!tpu.dma_semaphore, #tpu.memory_space<semaphore_mem>>) src(%dma_wait3A_150 : memref<1000000x64xf32, #tpu.memory_space<hbm>>) dst(%arg9 : memref<64x64xf32, #tpu.memory_space<vmem>>)
      %dma_wait3A_151 = arith.constant 0 : i32
      %dma_wait3A_152 = arith.constant 0 : i32
      %dma_wait3A_153 = tpu.memref_slice %arg10[%dma_wait3A_151, %dma_wait3A_152] : memref<1344x64xf32, #tpu.memory_space<vmem>> -> memref<112x64xf32, #tpu.memory_space<vmem>>
      %dma_wait3A_154 = tpu.memref_slice %arg8[%add3A_19] : memref<10752xi32, #tpu.memory_space<vmem>> -> memref<112xi32, #tpu.memory_space<vmem>>
      %dma_wait3A_155 = arith.constant 0 : i32
      %dma_wait3A_156 = arith.constant 0 : i32
      %dma_wait3A_157 = tpu.memref_slice %arg5[%dma_wait3A_155, %dma_wait3A_156] : memref<1000000x64xf32, #tpu.memory_space<hbm>> -> memref<1000000x64xf32, #tpu.memory_space<hbm>>
      tpu.wait_indirect_dma semaphore(%arg12 : memref<!tpu.dma_semaphore, #tpu.memory_space<semaphore_mem>>) src(%dma_wait3A_157 : memref<1000000x64xf32, #tpu.memory_space<hbm>>) dst(%dma_wait3A_153 : memref<112x64xf32, #tpu.memory_space<vmem>>)
      %dma_wait3A_158 = arith.constant 112 : i32
      %dma_wait3A_159 = arith.constant 0 : i32
      %dma_wait3A_160 = tpu.memref_slice %arg10[%dma_wait3A_158, %dma_wait3A_159] : memref<1344x64xf32, #tpu.memory_space<vmem>> -> memref<112x64xf32, #tpu.memory_space<vmem>>
      %dma_wait3A_161 = tpu.memref_slice %arg8[%add3A_30] : memref<10752xi32, #tpu.memory_space<vmem>> -> memref<112xi32, #tpu.memory_space<vmem>>
      %dma_wait3A_162 = arith.constant 0 : i32
      %dma_wait3A_163 = arith.constant 0 : i32
      %dma_wait3A_164 = tpu.memref_slice %arg5[%dma_wait3A_162, %dma_wait3A_163] : memref<1000000x64xf32, #tpu.memory_space<hbm>> -> memref<1000000x64xf32, #tpu.memory_space<hbm>>
      tpu.wait_indirect_dma semaphore(%arg12 : memref<!tpu.dma_semaphore, #tpu.memory_space<semaphore_mem>>) src(%dma_wait3A_164 : memref<1000000x64xf32, #tpu.memory_space<hbm>>) dst(%dma_wait3A_160 : memref<112x64xf32, #tpu.memory_space<vmem>>)
      %dma_wait3A_165 = arith.constant 224 : i32
      %dma_wait3A_166 = arith.constant 0 : i32
      %dma_wait3A_167 = tpu.memref_slice %arg10[%dma_wait3A_165, %dma_wait3A_166] : memref<1344x64xf32, #tpu.memory_space<vmem>> -> memref<112x64xf32, #tpu.memory_space<vmem>>
      %dma_wait3A_168 = tpu.memref_slice %arg8[%add3A_41] : memref<10752xi32, #tpu.memory_space<vmem>> -> memref<112xi32, #tpu.memory_space<vmem>>
      %dma_wait3A_169 = arith.constant 0 : i32
      %dma_wait3A_170 = arith.constant 0 : i32
      %dma_wait3A_171 = tpu.memref_slice %arg5[%dma_wait3A_169, %dma_wait3A_170] : memref<1000000x64xf32, #tpu.memory_space<hbm>> -> memref<1000000x64xf32, #tpu.memory_space<hbm>>
      tpu.wait_indirect_dma semaphore(%arg12 : memref<!tpu.dma_semaphore, #tpu.memory_space<semaphore_mem>>) src(%dma_wait3A_171 : memref<1000000x64xf32, #tpu.memory_space<hbm>>) dst(%dma_wait3A_167 : memref<112x64xf32, #tpu.memory_space<vmem>>)
      %dma_wait3A_172 = arith.constant 336 : i32
      %dma_wait3A_173 = arith.constant 0 : i32
      %dma_wait3A_174 = tpu.memref_slice %arg10[%dma_wait3A_172, %dma_wait3A_173] : memref<1344x64xf32, #tpu.memory_space<vmem>> -> memref<112x64xf32, #tpu.memory_space<vmem>>
      %dma_wait3A_175 = tpu.memref_slice %arg8[%add3A_52] : memref<10752xi32, #tpu.memory_space<vmem>> -> memref<112xi32, #tpu.memory_space<vmem>>
      %dma_wait3A_176 = arith.constant 0 : i32
      %dma_wait3A_177 = arith.constant 0 : i32
      %dma_wait3A_178 = tpu.memref_slice %arg5[%dma_wait3A_176, %dma_wait3A_177] : memref<1000000x64xf32, #tpu.memory_space<hbm>> -> memref<1000000x64xf32, #tpu.memory_space<hbm>>
      tpu.wait_indirect_dma semaphore(%arg12 : memref<!tpu.dma_semaphore, #tpu.memory_space<semaphore_mem>>) src(%dma_wait3A_178 : memref<1000000x64xf32, #tpu.memory_space<hbm>>) dst(%dma_wait3A_174 : memref<112x64xf32, #tpu.memory_space<vmem>>)
      %dma_wait3A_179 = arith.constant 448 : i32
      %dma_wait3A_180 = arith.constant 0 : i32
      %dma_wait3A_181 = tpu.memref_slice %arg10[%dma_wait3A_179, %dma_wait3A_180] : memref<1344x64xf32, #tpu.memory_space<vmem>> -> memref<112x64xf32, #tpu.memory_space<vmem>>
      %dma_wait3A_182 = tpu.memref_slice %arg8[%add3A_63] : memref<10752xi32, #tpu.memory_space<vmem>> -> memref<112xi32, #tpu.memory_space<vmem>>
      %dma_wait3A_183 = arith.constant 0 : i32
      %dma_wait3A_184 = arith.constant 0 : i32
      %dma_wait3A_185 = tpu.memref_slice %arg5[%dma_wait3A_183, %dma_wait3A_184] : memref<1000000x64xf32, #tpu.memory_space<hbm>> -> memref<1000000x64xf32, #tpu.memory_space<hbm>>
      tpu.wait_indirect_dma semaphore(%arg12 : memref<!tpu.dma_semaphore, #tpu.memory_space<semaphore_mem>>) src(%dma_wait3A_185 : memref<1000000x64xf32, #tpu.memory_space<hbm>>) dst(%dma_wait3A_181 : memref<112x64xf32, #tpu.memory_space<vmem>>)
      %dma_wait3A_186 = arith.constant 560 : i32
      %dma_wait3A_187 = arith.constant 0 : i32
      %dma_wait3A_188 = tpu.memref_slice %arg10[%dma_wait3A_186, %dma_wait3A_187] : memref<1344x64xf32, #tpu.memory_space<vmem>> -> memref<112x64xf32, #tpu.memory_space<vmem>>
      %dma_wait3A_189 = tpu.memref_slice %arg8[%add3A_74] : memref<10752xi32, #tpu.memory_space<vmem>> -> memref<112xi32, #tpu.memory_space<vmem>>
      %dma_wait3A_190 = arith.constant 0 : i32
      %dma_wait3A_191 = arith.constant 0 : i32
      %dma_wait3A_192 = tpu.memref_slice %arg5[%dma_wait3A_190, %dma_wait3A_191] : memref<1000000x64xf32, #tpu.memory_space<hbm>> -> memref<1000000x64xf32, #tpu.memory_space<hbm>>
      tpu.wait_indirect_dma semaphore(%arg12 : memref<!tpu.dma_semaphore, #tpu.memory_space<semaphore_mem>>) src(%dma_wait3A_192 : memref<1000000x64xf32, #tpu.memory_space<hbm>>) dst(%dma_wait3A_188 : memref<112x64xf32, #tpu.memory_space<vmem>>)
      %dma_wait3A_193 = arith.constant 672 : i32
      %dma_wait3A_194 = arith.constant 0 : i32
      %dma_wait3A_195 = tpu.memref_slice %arg10[%dma_wait3A_193, %dma_wait3A_194] : memref<1344x64xf32, #tpu.memory_space<vmem>> -> memref<112x64xf32, #tpu.memory_space<vmem>>
      %dma_wait3A_196 = tpu.memref_slice %arg8[%add3A_85] : memref<10752xi32, #tpu.memory_space<vmem>> -> memref<112xi32, #tpu.memory_space<vmem>>
      %dma_wait3A_197 = arith.constant 0 : i32
      %dma_wait3A_198 = arith.constant 0 : i32
      %dma_wait3A_199 = tpu.memref_slice %arg5[%dma_wait3A_197, %dma_wait3A_198] : memref<1000000x64xf32, #tpu.memory_space<hbm>> -> memref<1000000x64xf32, #tpu.memory_space<hbm>>
      tpu.wait_indirect_dma semaphore(%arg12 : memref<!tpu.dma_semaphore, #tpu.memory_space<semaphore_mem>>) src(%dma_wait3A_199 : memref<1000000x64xf32, #tpu.memory_space<hbm>>) dst(%dma_wait3A_195 : memref<112x64xf32, #tpu.memory_space<vmem>>)
      %dma_wait3A_200 = arith.constant 784 : i32
      %dma_wait3A_201 = arith.constant 0 : i32
      %dma_wait3A_202 = tpu.memref_slice %arg10[%dma_wait3A_200, %dma_wait3A_201] : memref<1344x64xf32, #tpu.memory_space<vmem>> -> memref<112x64xf32, #tpu.memory_space<vmem>>
      %dma_wait3A_203 = tpu.memref_slice %arg8[%add3A_96] : memref<10752xi32, #tpu.memory_space<vmem>> -> memref<112xi32, #tpu.memory_space<vmem>>
      %dma_wait3A_204 = arith.constant 0 : i32
      %dma_wait3A_205 = arith.constant 0 : i32
      %dma_wait3A_206 = tpu.memref_slice %arg5[%dma_wait3A_204, %dma_wait3A_205] : memref<1000000x64xf32, #tpu.memory_space<hbm>> -> memref<1000000x64xf32, #tpu.memory_space<hbm>>
      tpu.wait_indirect_dma semaphore(%arg12 : memref<!tpu.dma_semaphore, #tpu.memory_space<semaphore_mem>>) src(%dma_wait3A_206 : memref<1000000x64xf32, #tpu.memory_space<hbm>>) dst(%dma_wait3A_202 : memref<112x64xf32, #tpu.memory_space<vmem>>)
      %dma_wait3A_207 = arith.constant 896 : i32
      %dma_wait3A_208 = arith.constant 0 : i32
      %dma_wait3A_209 = tpu.memref_slice %arg10[%dma_wait3A_207, %dma_wait3A_208] : memref<1344x64xf32, #tpu.memory_space<vmem>> -> memref<112x64xf32, #tpu.memory_space<vmem>>
      %dma_wait3A_210 = tpu.memref_slice %arg8[%add3A_107] : memref<10752xi32, #tpu.memory_space<vmem>> -> memref<112xi32, #tpu.memory_space<vmem>>
      %dma_wait3A_211 = arith.constant 0 : i32
      %dma_wait3A_212 = arith.constant 0 : i32
      %dma_wait3A_213 = tpu.memref_slice %arg5[%dma_wait3A_211, %dma_wait3A_212] : memref<1000000x64xf32, #tpu.memory_space<hbm>> -> memref<1000000x64xf32, #tpu.memory_space<hbm>>
      tpu.wait_indirect_dma semaphore(%arg12 : memref<!tpu.dma_semaphore, #tpu.memory_space<semaphore_mem>>) src(%dma_wait3A_213 : memref<1000000x64xf32, #tpu.memory_space<hbm>>) dst(%dma_wait3A_209 : memref<112x64xf32, #tpu.memory_space<vmem>>)
      %dma_wait3A_214 = arith.constant 1008 : i32
      %dma_wait3A_215 = arith.constant 0 : i32
      %dma_wait3A_216 = tpu.memref_slice %arg10[%dma_wait3A_214, %dma_wait3A_215] : memref<1344x64xf32, #tpu.memory_space<vmem>> -> memref<112x64xf32, #tpu.memory_space<vmem>>
      %dma_wait3A_217 = tpu.memref_slice %arg8[%add3A_118] : memref<10752xi32, #tpu.memory_space<vmem>> -> memref<112xi32, #tpu.memory_space<vmem>>
      %dma_wait3A_218 = arith.constant 0 : i32
      %dma_wait3A_219 = arith.constant 0 : i32
      %dma_wait3A_220 = tpu.memref_slice %arg5[%dma_wait3A_218, %dma_wait3A_219] : memref<1000000x64xf32, #tpu.memory_space<hbm>> -> memref<1000000x64xf32, #tpu.memory_space<hbm>>
      tpu.wait_indirect_dma semaphore(%arg12 : memref<!tpu.dma_semaphore, #tpu.memory_space<semaphore_mem>>) src(%dma_wait3A_220 : memref<1000000x64xf32, #tpu.memory_space<hbm>>) dst(%dma_wait3A_216 : memref<112x64xf32, #tpu.memory_space<vmem>>)
      %dma_wait3A_221 = arith.constant 1120 : i32
      %dma_wait3A_222 = arith.constant 0 : i32
      %dma_wait3A_223 = tpu.memref_slice %arg10[%dma_wait3A_221, %dma_wait3A_222] : memref<1344x64xf32, #tpu.memory_space<vmem>> -> memref<112x64xf32, #tpu.memory_space<vmem>>
      %dma_wait3A_224 = tpu.memref_slice %arg8[%add3A_129] : memref<10752xi32, #tpu.memory_space<vmem>> -> memref<112xi32, #tpu.memory_space<vmem>>
      %dma_wait3A_225 = arith.constant 0 : i32
      %dma_wait3A_226 = arith.constant 0 : i32
      %dma_wait3A_227 = tpu.memref_slice %arg5[%dma_wait3A_225, %dma_wait3A_226] : memref<1000000x64xf32, #tpu.memory_space<hbm>> -> memref<1000000x64xf32, #tpu.memory_space<hbm>>
      tpu.wait_indirect_dma semaphore(%arg12 : memref<!tpu.dma_semaphore, #tpu.memory_space<semaphore_mem>>) src(%dma_wait3A_227 : memref<1000000x64xf32, #tpu.memory_space<hbm>>) dst(%dma_wait3A_223 : memref<112x64xf32, #tpu.memory_space<vmem>>)
      %dma_wait3A_228 = arith.constant 1232 : i32
      %dma_wait3A_229 = arith.constant 0 : i32
      %dma_wait3A_230 = tpu.memref_slice %arg10[%dma_wait3A_228, %dma_wait3A_229] : memref<1344x64xf32, #tpu.memory_space<vmem>> -> memref<112x64xf32, #tpu.memory_space<vmem>>
      %dma_wait3A_231 = tpu.memref_slice %arg8[%add3A_140] : memref<10752xi32, #tpu.memory_space<vmem>> -> memref<112xi32, #tpu.memory_space<vmem>>
      %dma_wait3A_232 = arith.constant 0 : i32
      %dma_wait3A_233 = arith.constant 0 : i32
      %dma_wait3A_234 = tpu.memref_slice %arg5[%dma_wait3A_232, %dma_wait3A_233] : memref<1000000x64xf32, #tpu.memory_space<hbm>> -> memref<1000000x64xf32, #tpu.memory_space<hbm>>
      tpu.wait_indirect_dma semaphore(%arg12 : memref<!tpu.dma_semaphore, #tpu.memory_space<semaphore_mem>>) src(%dma_wait3A_234 : memref<1000000x64xf32, #tpu.memory_space<hbm>>) dst(%dma_wait3A_230 : memref<112x64xf32, #tpu.memory_space<vmem>>)
      %scan3A_235 = arith.constant 0 : i32
      %scan3A_236 = arith.constant 0 : i32
      %scan3A_237 = arith.constant 64 : i32
      %scan3A_238 = arith.addi %scan3A_236, %scan3A_237 : i32
      %scan3A_239 = arith.constant 1 : i32
      scf.for %scan3A_242 = %scan3A_236 to %scan3A_238 step %scan3A_239  : i32 {
        %get3A = arith.index_cast %scan3A_242 : i32 to index
        %get3A_243 = arith.constant 0 : index
        %get3A_244 = tpu.vector_load %arg9[%get3A, %get3A_243] {strides = array<i32>} : memref<64x64xf32, #tpu.memory_space<vmem>>, vector<16xf32>,
        %get3A_245 = arith.index_cast %scan3A_242 : i32 to index
        %get3A_246 = arith.constant 16 : index
        %get3A_247 = tpu.vector_load %arg9[%get3A_245, %get3A_246] {strides = array<i32>} : memref<64x64xf32, #tpu.memory_space<vmem>>, vector<16xf32>,
        %get3A_248 = arith.index_cast %scan3A_242 : i32 to index
        %get3A_249 = arith.constant 32 : index
        %get3A_250 = tpu.vector_load %arg9[%get3A_248, %get3A_249] {strides = array<i32>} : memref<64x64xf32, #tpu.memory_space<vmem>>, vector<16xf32>,
        %get3A_251 = arith.index_cast %scan3A_242 : i32 to index
        %get3A_252 = arith.constant 48 : index
        %get3A_253 = tpu.vector_load %arg9[%get3A_251, %get3A_252] {strides = array<i32>} : memref<64x64xf32, #tpu.memory_space<vmem>>, vector<16xf32>,
        %mul3A_254 = arith.constant 21 : i32
        %mul3A_255 = arith.muli %scan3A_242, %mul3A_254 : i32
        %add3A_256 = arith.constant 0 : i32
        %add3A_257 = arith.addi %mul3A_255, %add3A_256 : i32
        %get3A_258 = arith.index_cast %add3A_257 : i32 to index
        %get3A_259 = arith.constant 0 : index
        %get3A_260 = tpu.vector_load %arg10[%get3A_258, %get3A_259] {strides = array<i32>} : memref<1344x64xf32, #tpu.memory_space<vmem>>, vector<16xf32>,
        %mul3A_261 = arith.mulf %get3A_244, %get3A_260 : vector<16xf32>
        %add3A_262 = arith.constant 0 : i32
        %add3A_263 = arith.addi %mul3A_255, %add3A_262 : i32
        %get3A_264 = arith.index_cast %add3A_263 : i32 to index
        %get3A_265 = arith.constant 16 : index
        %get3A_266 = tpu.vector_load %arg10[%get3A_264, %get3A_265] {strides = array<i32>} : memref<1344x64xf32, #tpu.memory_space<vmem>>, vector<16xf32>,
        %mul3A_267 = arith.mulf %get3A_247, %get3A_266 : vector<16xf32>
        %add3A_268 = arith.addf %mul3A_261, %mul3A_267 : vector<16xf32>
        %add3A_269 = arith.constant 0 : i32
        %add3A_270 = arith.addi %mul3A_255, %add3A_269 : i32
        %get3A_271 = arith.index_cast %add3A_270 : i32 to index
        %get3A_272 = arith.constant 32 : index
        %get3A_273 = tpu.vector_load %arg10[%get3A_271, %get3A_272] {strides = array<i32>} : memref<1344x64xf32, #tpu.memory_space<vmem>>, vector<16xf32>,
        %mul3A_274 = arith.mulf %get3A_250, %get3A_273 : vector<16xf32>
        %add3A_275 = arith.addf %add3A_268, %mul3A_274 : vector<16xf32>
        %add3A_276 = arith.constant 0 : i32
        %add3A_277 = arith.addi %mul3A_255, %add3A_276 : i32
        %get3A_278 = arith.index_cast %add3A_277 : i32 to index
        %get3A_279 = arith.constant 48 : index
        %get3A_280 = tpu.vector_load %arg10[%get3A_278, %get3A_279] {strides = array<i32>} : memref<1344x64xf32, #tpu.memory_space<vmem>>, vector<16xf32>,
        %mul3A_281 = arith.mulf %get3A_253, %get3A_280 : vector<16xf32>
        %add3A_282 = arith.addf %add3A_275, %mul3A_281 : vector<16xf32>
        %add3A_283 = arith.constant 1 : i32
        %add3A_284 = arith.addi %mul3A_255, %add3A_283 : i32
        %get3A_285 = arith.index_cast %add3A_284 : i32 to index
        %get3A_286 = arith.constant 0 : index
        %get3A_287 = tpu.vector_load %arg10[%get3A_285, %get3A_286] {strides = array<i32>} : memref<1344x64xf32, #tpu.memory_space<vmem>>, vector<16xf32>,
        %mul3A_288 = arith.mulf %get3A_244, %get3A_287 : vector<16xf32>
        %add3A_289 = arith.constant 1 : i32
        %add3A_290 = arith.addi %mul3A_255, %add3A_289 : i32
        %get3A_291 = arith.index_cast %add3A_290 : i32 to index
        %get3A_292 = arith.constant 16 : index
        %get3A_293 = tpu.vector_load %arg10[%get3A_291, %get3A_292] {strides = array<i32>} : memref<1344x64xf32, #tpu.memory_space<vmem>>, vector<16xf32>,
        %mul3A_294 = arith.mulf %get3A_247, %get3A_293 : vector<16xf32>
        %add3A_295 = arith.addf %mul3A_288, %mul3A_294 : vector<16xf32>
        %add3A_296 = arith.constant 1 : i32
        %add3A_297 = arith.addi %mul3A_255, %add3A_296 : i32
        %get3A_298 = arith.index_cast %add3A_297 : i32 to index
        %get3A_299 = arith.constant 32 : index
        %get3A_300 = tpu.vector_load %arg10[%get3A_298, %get3A_299] {strides = array<i32>} : memref<1344x64xf32, #tpu.memory_space<vmem>>, vector<16xf32>,
        %mul3A_301 = arith.mulf %get3A_250, %get3A_300 : vector<16xf32>
        %add3A_302 = arith.addf %add3A_295, %mul3A_301 : vector<16xf32>
        %add3A_303 = arith.constant 1 : i32
        %add3A_304 = arith.addi %mul3A_255, %add3A_303 : i32
        %get3A_305 = arith.index_cast %add3A_304 : i32 to index
        %get3A_306 = arith.constant 48 : index
        %get3A_307 = tpu.vector_load %arg10[%get3A_305, %get3A_306] {strides = array<i32>} : memref<1344x64xf32, #tpu.memory_space<vmem>>, vector<16xf32>,
        %mul3A_308 = arith.mulf %get3A_253, %get3A_307 : vector<16xf32>
        %add3A_309 = arith.addf %add3A_302, %mul3A_308 : vector<16xf32>
        %add3A_310 = arith.constant 2 : i32
        %add3A_311 = arith.addi %mul3A_255, %add3A_310 : i32
        %get3A_312 = arith.index_cast %add3A_311 : i32 to index
        %get3A_313 = arith.constant 0 : index
        %get3A_314 = tpu.vector_load %arg10[%get3A_312, %get3A_313] {strides = array<i32>} : memref<1344x64xf32, #tpu.memory_space<vmem>>, vector<16xf32>,
        %mul3A_315 = arith.mulf %get3A_244, %get3A_314 : vector<16xf32>
        %add3A_316 = arith.constant 2 : i32
        %add3A_317 = arith.addi %mul3A_255, %add3A_316 : i32
        %get3A_318 = arith.index_cast %add3A_317 : i32 to index
        %get3A_319 = arith.constant 16 : index
        %get3A_320 = tpu.vector_load %arg10[%get3A_318, %get3A_319] {strides = array<i32>} : memref<1344x64xf32, #tpu.memory_space<vmem>>, vector<16xf32>,
        %mul3A_321 = arith.mulf %get3A_247, %get3A_320 : vector<16xf32>
        %add3A_322 = arith.addf %mul3A_315, %mul3A_321 : vector<16xf32>
        %add3A_323 = arith.constant 2 : i32
        %add3A_324 = arith.addi %mul3A_255, %add3A_323 : i32
        %get3A_325 = arith.index_cast %add3A_324 : i32 to index
        %get3A_326 = arith.constant 32 : index
        %get3A_327 = tpu.vector_load %arg10[%get3A_325, %get3A_326] {strides = array<i32>} : memref<1344x64xf32, #tpu.memory_space<vmem>>, vector<16xf32>,
        %mul3A_328 = arith.mulf %get3A_250, %get3A_327 : vector<16xf32>
        %add3A_329 = arith.addf %add3A_322, %mul3A_328 : vector<16xf32>
        %add3A_330 = arith.constant 2 : i32
        %add3A_331 = arith.addi %mul3A_255, %add3A_330 : i32
        %get3A_332 = arith.index_cast %add3A_331 : i32 to index
        %get3A_333 = arith.constant 48 : index
        %get3A_334 = tpu.vector_load %arg10[%get3A_332, %get3A_333] {strides = array<i32>} : memref<1344x64xf32, #tpu.memory_space<vmem>>, vector<16xf32>,
        %mul3A_335 = arith.mulf %get3A_253, %get3A_334 : vector<16xf32>
        %add3A_336 = arith.addf %add3A_329, %mul3A_335 : vector<16xf32>
        %add3A_337 = arith.constant 3 : i32
        %add3A_338 = arith.addi %mul3A_255, %add3A_337 : i32
        %get3A_339 = arith.index_cast %add3A_338 : i32 to index
        %get3A_340 = arith.constant 0 : index
        %get3A_341 = tpu.vector_load %arg10[%get3A_339, %get3A_340] {strides = array<i32>} : memref<1344x64xf32, #tpu.memory_space<vmem>>, vector<16xf32>,
        %mul3A_342 = arith.mulf %get3A_244, %get3A_341 : vector<16xf32>
        %add3A_343 = arith.constant 3 : i32
        %add3A_344 = arith.addi %mul3A_255, %add3A_343 : i32
        %get3A_345 = arith.index_cast %add3A_344 : i32 to index
        %get3A_346 = arith.constant 16 : index
        %get3A_347 = tpu.vector_load %arg10[%get3A_345, %get3A_346] {strides = array<i32>} : memref<1344x64xf32, #tpu.memory_space<vmem>>, vector<16xf32>,
        %mul3A_348 = arith.mulf %get3A_247, %get3A_347 : vector<16xf32>
        %add3A_349 = arith.addf %mul3A_342, %mul3A_348 : vector<16xf32>
        %add3A_350 = arith.constant 3 : i32
        %add3A_351 = arith.addi %mul3A_255, %add3A_350 : i32
        %get3A_352 = arith.index_cast %add3A_351 : i32 to index
        %get3A_353 = arith.constant 32 : index
        %get3A_354 = tpu.vector_load %arg10[%get3A_352, %get3A_353] {strides = array<i32>} : memref<1344x64xf32, #tpu.memory_space<vmem>>, vector<16xf32>,
        %mul3A_355 = arith.mulf %get3A_250, %get3A_354 : vector<16xf32>
        %add3A_356 = arith.addf %add3A_349, %mul3A_355 : vector<16xf32>
        %add3A_357 = arith.constant 3 : i32
        %add3A_358 = arith.addi %mul3A_255, %add3A_357 : i32
        %get3A_359 = arith.index_cast %add3A_358 : i32 to index
        %get3A_360 = arith.constant 48 : index
        %get3A_361 = tpu.vector_load %arg10[%get3A_359, %get3A_360] {strides = array<i32>} : memref<1344x64xf32, #tpu.memory_space<vmem>>, vector<16xf32>,
        %mul3A_362 = arith.mulf %get3A_253, %get3A_361 : vector<16xf32>
        %add3A_363 = arith.addf %add3A_356, %mul3A_362 : vector<16xf32>
        %add3A_364 = arith.constant 4 : i32
        %add3A_365 = arith.addi %mul3A_255, %add3A_364 : i32
        %get3A_366 = arith.index_cast %add3A_365 : i32 to index
        %get3A_367 = arith.constant 0 : index
        %get3A_368 = tpu.vector_load %arg10[%get3A_366, %get3A_367] {strides = array<i32>} : memref<1344x64xf32, #tpu.memory_space<vmem>>, vector<16xf32>,
        %mul3A_369 = arith.mulf %get3A_244, %get3A_368 : vector<16xf32>
        %add3A_370 = arith.constant 4 : i32
        %add3A_371 = arith.addi %mul3A_255, %add3A_370 : i32
        %get3A_372 = arith.index_cast %add3A_371 : i32 to index
        %get3A_373 = arith.constant 16 : index
        %get3A_374 = tpu.vector_load %arg10[%get3A_372, %get3A_373] {strides = array<i32>} : memref<1344x64xf32, #tpu.memory_space<vmem>>, vector<16xf32>,
        %mul3A_375 = arith.mulf %get3A_247, %get3A_374 : vector<16xf32>
        %add3A_376 = arith.addf %mul3A_369, %mul3A_375 : vector<16xf32>
        %add3A_377 = arith.constant 4 : i32
        %add3A_378 = arith.addi %mul3A_255, %add3A_377 : i32
        %get3A_379 = arith.index_cast %add3A_378 : i32 to index
        %get3A_380 = arith.constant 32 : index
        %get3A_381 = tpu.vector_load %arg10[%get3A_379, %get3A_380] {strides = array<i32>} : memref<1344x64xf32, #tpu.memory_space<vmem>>, vector<16xf32>,
        %mul3A_382 = arith.mulf %get3A_250, %get3A_381 : vector<16xf32>
        %add3A_383 = arith.addf %add3A_376, %mul3A_382 : vector<16xf32>
        %add3A_384 = arith.constant 4 : i32
        %add3A_385 = arith.addi %mul3A_255, %add3A_384 : i32
        %get3A_386 = arith.index_cast %add3A_385 : i32 to index
        %get3A_387 = arith.constant 48 : index
        %get3A_388 = tpu.vector_load %arg10[%get3A_386, %get3A_387] {strides = array<i32>} : memref<1344x64xf32, #tpu.memory_space<vmem>>, vector<16xf32>,
        %mul3A_389 = arith.mulf %get3A_253, %get3A_388 : vector<16xf32>
        %add3A_390 = arith.addf %add3A_383, %mul3A_389 : vector<16xf32>
        %add3A_391 = arith.constant 5 : i32
        %add3A_392 = arith.addi %mul3A_255, %add3A_391 : i32
        %get3A_393 = arith.index_cast %add3A_392 : i32 to index
        %get3A_394 = arith.constant 0 : index
        %get3A_395 = tpu.vector_load %arg10[%get3A_393, %get3A_394] {strides = array<i32>} : memref<1344x64xf32, #tpu.memory_space<vmem>>, vector<16xf32>,
        %mul3A_396 = arith.mulf %get3A_244, %get3A_395 : vector<16xf32>
        %add3A_397 = arith.constant 5 : i32
        %add3A_398 = arith.addi %mul3A_255, %add3A_397 : i32
        %get3A_399 = arith.index_cast %add3A_398 : i32 to index
        %get3A_400 = arith.constant 16 : index
        %get3A_401 = tpu.vector_load %arg10[%get3A_399, %get3A_400] {strides = array<i32>} : memref<1344x64xf32, #tpu.memory_space<vmem>>, vector<16xf32>,
        %mul3A_402 = arith.mulf %get3A_247, %get3A_401 : vector<16xf32>
        %add3A_403 = arith.addf %mul3A_396, %mul3A_402 : vector<16xf32>
        %add3A_404 = arith.constant 5 : i32
        %add3A_405 = arith.addi %mul3A_255, %add3A_404 : i32
        %get3A_406 = arith.index_cast %add3A_405 : i32 to index
        %get3A_407 = arith.constant 32 : index
        %get3A_408 = tpu.vector_load %arg10[%get3A_406, %get3A_407] {strides = array<i32>} : memref<1344x64xf32, #tpu.memory_space<vmem>>, vector<16xf32>,
        %mul3A_409 = arith.mulf %get3A_250, %get3A_408 : vector<16xf32>
        %add3A_410 = arith.addf %add3A_403, %mul3A_409 : vector<16xf32>
        %add3A_411 = arith.constant 5 : i32
        %add3A_412 = arith.addi %mul3A_255, %add3A_411 : i32
        %get3A_413 = arith.index_cast %add3A_412 : i32 to index
        %get3A_414 = arith.constant 48 : index
        %get3A_415 = tpu.vector_load %arg10[%get3A_413, %get3A_414] {strides = array<i32>} : memref<1344x64xf32, #tpu.memory_space<vmem>>, vector<16xf32>,
        %mul3A_416 = arith.mulf %get3A_253, %get3A_415 : vector<16xf32>
        %add3A_417 = arith.addf %add3A_410, %mul3A_416 : vector<16xf32>
        %add3A_418 = arith.constant 6 : i32
        %add3A_419 = arith.addi %mul3A_255, %add3A_418 : i32
        %get3A_420 = arith.index_cast %add3A_419 : i32 to index
        %get3A_421 = arith.constant 0 : index
        %get3A_422 = tpu.vector_load %arg10[%get3A_420, %get3A_421] {strides = array<i32>} : memref<1344x64xf32, #tpu.memory_space<vmem>>, vector<16xf32>,
        %mul3A_423 = arith.mulf %get3A_244, %get3A_422 : vector<16xf32>
        %add3A_424 = arith.constant 6 : i32
        %add3A_425 = arith.addi %mul3A_255, %add3A_424 : i32
        %get3A_426 = arith.index_cast %add3A_425 : i32 to index
        %get3A_427 = arith.constant 16 : index
        %get3A_428 = tpu.vector_load %arg10[%get3A_426, %get3A_427] {strides = array<i32>} : memref<1344x64xf32, #tpu.memory_space<vmem>>, vector<16xf32>,
        %mul3A_429 = arith.mulf %get3A_247, %get3A_428 : vector<16xf32>
        %add3A_430 = arith.addf %mul3A_423, %mul3A_429 : vector<16xf32>
        %add3A_431 = arith.constant 6 : i32
        %add3A_432 = arith.addi %mul3A_255, %add3A_431 : i32
        %get3A_433 = arith.index_cast %add3A_432 : i32 to index
        %get3A_434 = arith.constant 32 : index
        %get3A_435 = tpu.vector_load %arg10[%get3A_433, %get3A_434] {strides = array<i32>} : memref<1344x64xf32, #tpu.memory_space<vmem>>, vector<16xf32>,
        %mul3A_436 = arith.mulf %get3A_250, %get3A_435 : vector<16xf32>
        %add3A_437 = arith.addf %add3A_430, %mul3A_436 : vector<16xf32>
        %add3A_438 = arith.constant 6 : i32
        %add3A_439 = arith.addi %mul3A_255, %add3A_438 : i32
        %get3A_440 = arith.index_cast %add3A_439 : i32 to index
        %get3A_441 = arith.constant 48 : index
        %get3A_442 = tpu.vector_load %arg10[%get3A_440, %get3A_441] {strides = array<i32>} : memref<1344x64xf32, #tpu.memory_space<vmem>>, vector<16xf32>,
        %mul3A_443 = arith.mulf %get3A_253, %get3A_442 : vector<16xf32>
        %add3A_444 = arith.addf %add3A_437, %mul3A_443 : vector<16xf32>
        %add3A_445 = arith.constant 7 : i32
        %add3A_446 = arith.addi %mul3A_255, %add3A_445 : i32
        %get3A_447 = arith.index_cast %add3A_446 : i32 to index
        %get3A_448 = arith.constant 0 : index
        %get3A_449 = tpu.vector_load %arg10[%get3A_447, %get3A_448] {strides = array<i32>} : memref<1344x64xf32, #tpu.memory_space<vmem>>, vector<16xf32>,
        %mul3A_450 = arith.mulf %get3A_244, %get3A_449 : vector<16xf32>
        %add3A_451 = arith.constant 7 : i32
        %add3A_452 = arith.addi %mul3A_255, %add3A_451 : i32
        %get3A_453 = arith.index_cast %add3A_452 : i32 to index
        %get3A_454 = arith.constant 16 : index
        %get3A_455 = tpu.vector_load %arg10[%get3A_453, %get3A_454] {strides = array<i32>} : memref<1344x64xf32, #tpu.memory_space<vmem>>, vector<16xf32>,
        %mul3A_456 = arith.mulf %get3A_247, %get3A_455 : vector<16xf32>
        %add3A_457 = arith.addf %mul3A_450, %mul3A_456 : vector<16xf32>
        %add3A_458 = arith.constant 7 : i32
        %add3A_459 = arith.addi %mul3A_255, %add3A_458 : i32
        %get3A_460 = arith.index_cast %add3A_459 : i32 to index
        %get3A_461 = arith.constant 32 : index
        %get3A_462 = tpu.vector_load %arg10[%get3A_460, %get3A_461] {strides = array<i32>} : memref<1344x64xf32, #tpu.memory_space<vmem>>, vector<16xf32>,
        %mul3A_463 = arith.mulf %get3A_250, %get3A_462 : vector<16xf32>
        %add3A_464 = arith.addf %add3A_457, %mul3A_463 : vector<16xf32>
        %add3A_465 = arith.constant 7 : i32
        %add3A_466 = arith.addi %mul3A_255, %add3A_465 : i32
        %get3A_467 = arith.index_cast %add3A_466 : i32 to index
        %get3A_468 = arith.constant 48 : index
        %get3A_469 = tpu.vector_load %arg10[%get3A_467, %get3A_468] {strides = array<i32>} : memref<1344x64xf32, #tpu.memory_space<vmem>>, vector<16xf32>,
        %mul3A_470 = arith.mulf %get3A_253, %get3A_469 : vector<16xf32>
        %add3A_471 = arith.addf %add3A_464, %mul3A_470 : vector<16xf32>
        %add3A_472 = arith.constant 8 : i32
        %add3A_473 = arith.addi %mul3A_255, %add3A_472 : i32
        %get3A_474 = arith.index_cast %add3A_473 : i32 to index
        %get3A_475 = arith.constant 0 : index
        %get3A_476 = tpu.vector_load %arg10[%get3A_474, %get3A_475] {strides = array<i32>} : memref<1344x64xf32, #tpu.memory_space<vmem>>, vector<16xf32>,
        %mul3A_477 = arith.mulf %get3A_244, %get3A_476 : vector<16xf32>
        %add3A_478 = arith.constant 8 : i32
        %add3A_479 = arith.addi %mul3A_255, %add3A_478 : i32
        %get3A_480 = arith.index_cast %add3A_479 : i32 to index
        %get3A_481 = arith.constant 16 : index
        %get3A_482 = tpu.vector_load %arg10[%get3A_480, %get3A_481] {strides = array<i32>} : memref<1344x64xf32, #tpu.memory_space<vmem>>, vector<16xf32>,
        %mul3A_483 = arith.mulf %get3A_247, %get3A_482 : vector<16xf32>
        %add3A_484 = arith.addf %mul3A_477, %mul3A_483 : vector<16xf32>
        %add3A_485 = arith.constant 8 : i32
        %add3A_486 = arith.addi %mul3A_255, %add3A_485 : i32
        %get3A_487 = arith.index_cast %add3A_486 : i32 to index
        %get3A_488 = arith.constant 32 : index
        %get3A_489 = tpu.vector_load %arg10[%get3A_487, %get3A_488] {strides = array<i32>} : memref<1344x64xf32, #tpu.memory_space<vmem>>, vector<16xf32>,
        %mul3A_490 = arith.mulf %get3A_250, %get3A_489 : vector<16xf32>
        %add3A_491 = arith.addf %add3A_484, %mul3A_490 : vector<16xf32>
        %add3A_492 = arith.constant 8 : i32
        %add3A_493 = arith.addi %mul3A_255, %add3A_492 : i32
        %get3A_494 = arith.index_cast %add3A_493 : i32 to index
        %get3A_495 = arith.constant 48 : index
        %get3A_496 = tpu.vector_load %arg10[%get3A_494, %get3A_495] {strides = array<i32>} : memref<1344x64xf32, #tpu.memory_space<vmem>>, vector<16xf32>,
        %mul3A_497 = arith.mulf %get3A_253, %get3A_496 : vector<16xf32>
        %add3A_498 = arith.addf %add3A_491, %mul3A_497 : vector<16xf32>
        %add3A_499 = arith.constant 9 : i32
        %add3A_500 = arith.addi %mul3A_255, %add3A_499 : i32
        %get3A_501 = arith.index_cast %add3A_500 : i32 to index
        %get3A_502 = arith.constant 0 : index
        %get3A_503 = tpu.vector_load %arg10[%get3A_501, %get3A_502] {strides = array<i32>} : memref<1344x64xf32, #tpu.memory_space<vmem>>, vector<16xf32>,
        %mul3A_504 = arith.mulf %get3A_244, %get3A_503 : vector<16xf32>
        %add3A_505 = arith.constant 9 : i32
        %add3A_506 = arith.addi %mul3A_255, %add3A_505 : i32
        %get3A_507 = arith.index_cast %add3A_506 : i32 to index
        %get3A_508 = arith.constant 16 : index
        %get3A_509 = tpu.vector_load %arg10[%get3A_507, %get3A_508] {strides = array<i32>} : memref<1344x64xf32, #tpu.memory_space<vmem>>, vector<16xf32>,
        %mul3A_510 = arith.mulf %get3A_247, %get3A_509 : vector<16xf32>
        %add3A_511 = arith.addf %mul3A_504, %mul3A_510 : vector<16xf32>
        %add3A_512 = arith.constant 9 : i32
        %add3A_513 = arith.addi %mul3A_255, %add3A_512 : i32
        %get3A_514 = arith.index_cast %add3A_513 : i32 to index
        %get3A_515 = arith.constant 32 : index
        %get3A_516 = tpu.vector_load %arg10[%get3A_514, %get3A_515] {strides = array<i32>} : memref<1344x64xf32, #tpu.memory_space<vmem>>, vector<16xf32>,
        %mul3A_517 = arith.mulf %get3A_250, %get3A_516 : vector<16xf32>
        %add3A_518 = arith.addf %add3A_511, %mul3A_517 : vector<16xf32>
        %add3A_519 = arith.constant 9 : i32
        %add3A_520 = arith.addi %mul3A_255, %add3A_519 : i32
        %get3A_521 = arith.index_cast %add3A_520 : i32 to index
        %get3A_522 = arith.constant 48 : index
        %get3A_523 = tpu.vector_load %arg10[%get3A_521, %get3A_522] {strides = array<i32>} : memref<1344x64xf32, #tpu.memory_space<vmem>>, vector<16xf32>,
        %mul3A_524 = arith.mulf %get3A_253, %get3A_523 : vector<16xf32>
        %add3A_525 = arith.addf %add3A_518, %mul3A_524 : vector<16xf32>
        %add3A_526 = arith.constant 10 : i32
        %add3A_527 = arith.addi %mul3A_255, %add3A_526 : i32
        %get3A_528 = arith.index_cast %add3A_527 : i32 to index
        %get3A_529 = arith.constant 0 : index
        %get3A_530 = tpu.vector_load %arg10[%get3A_528, %get3A_529] {strides = array<i32>} : memref<1344x64xf32, #tpu.memory_space<vmem>>, vector<16xf32>,
        %mul3A_531 = arith.mulf %get3A_244, %get3A_530 : vector<16xf32>
        %add3A_532 = arith.constant 10 : i32
        %add3A_533 = arith.addi %mul3A_255, %add3A_532 : i32
        %get3A_534 = arith.index_cast %add3A_533 : i32 to index
        %get3A_535 = arith.constant 16 : index
        %get3A_536 = tpu.vector_load %arg10[%get3A_534, %get3A_535] {strides = array<i32>} : memref<1344x64xf32, #tpu.memory_space<vmem>>, vector<16xf32>,
        %mul3A_537 = arith.mulf %get3A_247, %get3A_536 : vector<16xf32>
        %add3A_538 = arith.addf %mul3A_531, %mul3A_537 : vector<16xf32>
        %add3A_539 = arith.constant 10 : i32
        %add3A_540 = arith.addi %mul3A_255, %add3A_539 : i32
        %get3A_541 = arith.index_cast %add3A_540 : i32 to index
        %get3A_542 = arith.constant 32 : index
        %get3A_543 = tpu.vector_load %arg10[%get3A_541, %get3A_542] {strides = array<i32>} : memref<1344x64xf32, #tpu.memory_space<vmem>>, vector<16xf32>,
        %mul3A_544 = arith.mulf %get3A_250, %get3A_543 : vector<16xf32>
        %add3A_545 = arith.addf %add3A_538, %mul3A_544 : vector<16xf32>
        %add3A_546 = arith.constant 10 : i32
        %add3A_547 = arith.addi %mul3A_255, %add3A_546 : i32
        %get3A_548 = arith.index_cast %add3A_547 : i32 to index
        %get3A_549 = arith.constant 48 : index
        %get3A_550 = tpu.vector_load %arg10[%get3A_548, %get3A_549] {strides = array<i32>} : memref<1344x64xf32, #tpu.memory_space<vmem>>, vector<16xf32>,
        %mul3A_551 = arith.mulf %get3A_253, %get3A_550 : vector<16xf32>
        %add3A_552 = arith.addf %add3A_545, %mul3A_551 : vector<16xf32>
        %add3A_553 = arith.constant 11 : i32
        %add3A_554 = arith.addi %mul3A_255, %add3A_553 : i32
        %get3A_555 = arith.index_cast %add3A_554 : i32 to index
        %get3A_556 = arith.constant 0 : index
        %get3A_557 = tpu.vector_load %arg10[%get3A_555, %get3A_556] {strides = array<i32>} : memref<1344x64xf32, #tpu.memory_space<vmem>>, vector<16xf32>,
        %mul3A_558 = arith.mulf %get3A_244, %get3A_557 : vector<16xf32>
        %add3A_559 = arith.constant 11 : i32
        %add3A_560 = arith.addi %mul3A_255, %add3A_559 : i32
        %get3A_561 = arith.index_cast %add3A_560 : i32 to index
        %get3A_562 = arith.constant 16 : index
        %get3A_563 = tpu.vector_load %arg10[%get3A_561, %get3A_562] {strides = array<i32>} : memref<1344x64xf32, #tpu.memory_space<vmem>>, vector<16xf32>,
        %mul3A_564 = arith.mulf %get3A_247, %get3A_563 : vector<16xf32>
        %add3A_565 = arith.addf %mul3A_558, %mul3A_564 : vector<16xf32>
        %add3A_566 = arith.constant 11 : i32
        %add3A_567 = arith.addi %mul3A_255, %add3A_566 : i32
        %get3A_568 = arith.index_cast %add3A_567 : i32 to index
        %get3A_569 = arith.constant 32 : index
        %get3A_570 = tpu.vector_load %arg10[%get3A_568, %get3A_569] {strides = array<i32>} : memref<1344x64xf32, #tpu.memory_space<vmem>>, vector<16xf32>,
        %mul3A_571 = arith.mulf %get3A_250, %get3A_570 : vector<16xf32>
        %add3A_572 = arith.addf %add3A_565, %mul3A_571 : vector<16xf32>
        %add3A_573 = arith.constant 11 : i32
        %add3A_574 = arith.addi %mul3A_255, %add3A_573 : i32
        %get3A_575 = arith.index_cast %add3A_574 : i32 to index
        %get3A_576 = arith.constant 48 : index
        %get3A_577 = tpu.vector_load %arg10[%get3A_575, %get3A_576] {strides = array<i32>} : memref<1344x64xf32, #tpu.memory_space<vmem>>, vector<16xf32>,
        %mul3A_578 = arith.mulf %get3A_253, %get3A_577 : vector<16xf32>
        %add3A_579 = arith.addf %add3A_572, %mul3A_578 : vector<16xf32>
        %add3A_580 = arith.constant 12 : i32
        %add3A_581 = arith.addi %mul3A_255, %add3A_580 : i32
        %get3A_582 = arith.index_cast %add3A_581 : i32 to index
        %get3A_583 = arith.constant 0 : index
        %get3A_584 = tpu.vector_load %arg10[%get3A_582, %get3A_583] {strides = array<i32>} : memref<1344x64xf32, #tpu.memory_space<vmem>>, vector<16xf32>,
        %mul3A_585 = arith.mulf %get3A_244, %get3A_584 : vector<16xf32>
        %add3A_586 = arith.constant 12 : i32
        %add3A_587 = arith.addi %mul3A_255, %add3A_586 : i32
        %get3A_588 = arith.index_cast %add3A_587 : i32 to index
        %get3A_589 = arith.constant 16 : index
        %get3A_590 = tpu.vector_load %arg10[%get3A_588, %get3A_589] {strides = array<i32>} : memref<1344x64xf32, #tpu.memory_space<vmem>>, vector<16xf32>,
        %mul3A_591 = arith.mulf %get3A_247, %get3A_590 : vector<16xf32>
        %add3A_592 = arith.addf %mul3A_585, %mul3A_591 : vector<16xf32>
        %add3A_593 = arith.constant 12 : i32
        %add3A_594 = arith.addi %mul3A_255, %add3A_593 : i32
        %get3A_595 = arith.index_cast %add3A_594 : i32 to index
        %get3A_596 = arith.constant 32 : index
        %get3A_597 = tpu.vector_load %arg10[%get3A_595, %get3A_596] {strides = array<i32>} : memref<1344x64xf32, #tpu.memory_space<vmem>>, vector<16xf32>,
        %mul3A_598 = arith.mulf %get3A_250, %get3A_597 : vector<16xf32>
        %add3A_599 = arith.addf %add3A_592, %mul3A_598 : vector<16xf32>
        %add3A_600 = arith.constant 12 : i32
        %add3A_601 = arith.addi %mul3A_255, %add3A_600 : i32
        %get3A_602 = arith.index_cast %add3A_601 : i32 to index
        %get3A_603 = arith.constant 48 : index
        %get3A_604 = tpu.vector_load %arg10[%get3A_602, %get3A_603] {strides = array<i32>} : memref<1344x64xf32, #tpu.memory_space<vmem>>, vector<16xf32>,
        %mul3A_605 = arith.mulf %get3A_253, %get3A_604 : vector<16xf32>
        %add3A_606 = arith.addf %add3A_599, %mul3A_605 : vector<16xf32>
        %add3A_607 = arith.constant 13 : i32
        %add3A_608 = arith.addi %mul3A_255, %add3A_607 : i32
        %get3A_609 = arith.index_cast %add3A_608 : i32 to index
        %get3A_610 = arith.constant 0 : index
        %get3A_611 = tpu.vector_load %arg10[%get3A_609, %get3A_610] {strides = array<i32>} : memref<1344x64xf32, #tpu.memory_space<vmem>>, vector<16xf32>,
        %mul3A_612 = arith.mulf %get3A_244, %get3A_611 : vector<16xf32>
        %add3A_613 = arith.constant 13 : i32
        %add3A_614 = arith.addi %mul3A_255, %add3A_613 : i32
        %get3A_615 = arith.index_cast %add3A_614 : i32 to index
        %get3A_616 = arith.constant 16 : index
        %get3A_617 = tpu.vector_load %arg10[%get3A_615, %get3A_616] {strides = array<i32>} : memref<1344x64xf32, #tpu.memory_space<vmem>>, vector<16xf32>,
        %mul3A_618 = arith.mulf %get3A_247, %get3A_617 : vector<16xf32>
        %add3A_619 = arith.addf %mul3A_612, %mul3A_618 : vector<16xf32>
        %add3A_620 = arith.constant 13 : i32
        %add3A_621 = arith.addi %mul3A_255, %add3A_620 : i32
        %get3A_622 = arith.index_cast %add3A_621 : i32 to index
        %get3A_623 = arith.constant 32 : index
        %get3A_624 = tpu.vector_load %arg10[%get3A_622, %get3A_623] {strides = array<i32>} : memref<1344x64xf32, #tpu.memory_space<vmem>>, vector<16xf32>,
        %mul3A_625 = arith.mulf %get3A_250, %get3A_624 : vector<16xf32>
        %add3A_626 = arith.addf %add3A_619, %mul3A_625 : vector<16xf32>
        %add3A_627 = arith.constant 13 : i32
        %add3A_628 = arith.addi %mul3A_255, %add3A_627 : i32
        %get3A_629 = arith.index_cast %add3A_628 : i32 to index
        %get3A_630 = arith.constant 48 : index
        %get3A_631 = tpu.vector_load %arg10[%get3A_629, %get3A_630] {strides = array<i32>} : memref<1344x64xf32, #tpu.memory_space<vmem>>, vector<16xf32>,
        %mul3A_632 = arith.mulf %get3A_253, %get3A_631 : vector<16xf32>
        %add3A_633 = arith.addf %add3A_626, %mul3A_632 : vector<16xf32>
        %add3A_634 = arith.constant 14 : i32
        %add3A_635 = arith.addi %mul3A_255, %add3A_634 : i32
        %get3A_636 = arith.index_cast %add3A_635 : i32 to index
        %get3A_637 = arith.constant 0 : index
        %get3A_638 = tpu.vector_load %arg10[%get3A_636, %get3A_637] {strides = array<i32>} : memref<1344x64xf32, #tpu.memory_space<vmem>>, vector<16xf32>,
        %mul3A_639 = arith.mulf %get3A_244, %get3A_638 : vector<16xf32>
        %add3A_640 = arith.constant 14 : i32
        %add3A_641 = arith.addi %mul3A_255, %add3A_640 : i32
        %get3A_642 = arith.index_cast %add3A_641 : i32 to index
        %get3A_643 = arith.constant 16 : index
        %get3A_644 = tpu.vector_load %arg10[%get3A_642, %get3A_643] {strides = array<i32>} : memref<1344x64xf32, #tpu.memory_space<vmem>>, vector<16xf32>,
        %mul3A_645 = arith.mulf %get3A_247, %get3A_644 : vector<16xf32>
        %add3A_646 = arith.addf %mul3A_639, %mul3A_645 : vector<16xf32>
        %add3A_647 = arith.constant 14 : i32
        %add3A_648 = arith.addi %mul3A_255, %add3A_647 : i32
        %get3A_649 = arith.index_cast %add3A_648 : i32 to index
        %get3A_650 = arith.constant 32 : index
        %get3A_651 = tpu.vector_load %arg10[%get3A_649, %get3A_650] {strides = array<i32>} : memref<1344x64xf32, #tpu.memory_space<vmem>>, vector<16xf32>,
        %mul3A_652 = arith.mulf %get3A_250, %get3A_651 : vector<16xf32>
        %add3A_653 = arith.addf %add3A_646, %mul3A_652 : vector<16xf32>
        %add3A_654 = arith.constant 14 : i32
        %add3A_655 = arith.addi %mul3A_255, %add3A_654 : i32
        %get3A_656 = arith.index_cast %add3A_655 : i32 to index
        %get3A_657 = arith.constant 48 : index
        %get3A_658 = tpu.vector_load %arg10[%get3A_656, %get3A_657] {strides = array<i32>} : memref<1344x64xf32, #tpu.memory_space<vmem>>, vector<16xf32>,
        %mul3A_659 = arith.mulf %get3A_253, %get3A_658 : vector<16xf32>
        %add3A_660 = arith.addf %add3A_653, %mul3A_659 : vector<16xf32>
        %add3A_661 = arith.constant 15 : i32
        %add3A_662 = arith.addi %mul3A_255, %add3A_661 : i32
        %get3A_663 = arith.index_cast %add3A_662 : i32 to index
        %get3A_664 = arith.constant 0 : index
        %get3A_665 = tpu.vector_load %arg10[%get3A_663, %get3A_664] {strides = array<i32>} : memref<1344x64xf32, #tpu.memory_space<vmem>>, vector<16xf32>,
        %mul3A_666 = arith.mulf %get3A_244, %get3A_665 : vector<16xf32>
        %add3A_667 = arith.constant 15 : i32
        %add3A_668 = arith.addi %mul3A_255, %add3A_667 : i32
        %get3A_669 = arith.index_cast %add3A_668 : i32 to index
        %get3A_670 = arith.constant 16 : index
        %get3A_671 = tpu.vector_load %arg10[%get3A_669, %get3A_670] {strides = array<i32>} : memref<1344x64xf32, #tpu.memory_space<vmem>>, vector<16xf32>,
        %mul3A_672 = arith.mulf %get3A_247, %get3A_671 : vector<16xf32>
        %add3A_673 = arith.addf %mul3A_666, %mul3A_672 : vector<16xf32>
        %add3A_674 = arith.constant 15 : i32
        %add3A_675 = arith.addi %mul3A_255, %add3A_674 : i32
        %get3A_676 = arith.index_cast %add3A_675 : i32 to index
        %get3A_677 = arith.constant 32 : index
        %get3A_678 = tpu.vector_load %arg10[%get3A_676, %get3A_677] {strides = array<i32>} : memref<1344x64xf32, #tpu.memory_space<vmem>>, vector<16xf32>,
        %mul3A_679 = arith.mulf %get3A_250, %get3A_678 : vector<16xf32>
        %add3A_680 = arith.addf %add3A_673, %mul3A_679 : vector<16xf32>
        %add3A_681 = arith.constant 15 : i32
        %add3A_682 = arith.addi %mul3A_255, %add3A_681 : i32
        %get3A_683 = arith.index_cast %add3A_682 : i32 to index
        %get3A_684 = arith.constant 48 : index
        %get3A_685 = tpu.vector_load %arg10[%get3A_683, %get3A_684] {strides = array<i32>} : memref<1344x64xf32, #tpu.memory_space<vmem>>, vector<16xf32>,
        %mul3A_686 = arith.mulf %get3A_253, %get3A_685 : vector<16xf32>
        %add3A_687 = arith.addf %add3A_680, %mul3A_686 : vector<16xf32>
        %add3A_688 = arith.constant 16 : i32
        %add3A_689 = arith.addi %mul3A_255, %add3A_688 : i32
        %get3A_690 = arith.index_cast %add3A_689 : i32 to index
        %get3A_691 = arith.constant 0 : index
        %get3A_692 = tpu.vector_load %arg10[%get3A_690, %get3A_691] {strides = array<i32>} : memref<1344x64xf32, #tpu.memory_space<vmem>>, vector<16xf32>,
        %mul3A_693 = arith.mulf %get3A_244, %get3A_692 : vector<16xf32>
        %add3A_694 = arith.constant 16 : i32
        %add3A_695 = arith.addi %mul3A_255, %add3A_694 : i32
        %get3A_696 = arith.index_cast %add3A_695 : i32 to index
        %get3A_697 = arith.constant 16 : index
        %get3A_698 = tpu.vector_load %arg10[%get3A_696, %get3A_697] {strides = array<i32>} : memref<1344x64xf32, #tpu.memory_space<vmem>>, vector<16xf32>,
        %mul3A_699 = arith.mulf %get3A_247, %get3A_698 : vector<16xf32>
        %add3A_700 = arith.addf %mul3A_693, %mul3A_699 : vector<16xf32>
        %add3A_701 = arith.constant 16 : i32
        %add3A_702 = arith.addi %mul3A_255, %add3A_701 : i32
        %get3A_703 = arith.index_cast %add3A_702 : i32 to index
        %get3A_704 = arith.constant 32 : index
        %get3A_705 = tpu.vector_load %arg10[%get3A_703, %get3A_704] {strides = array<i32>} : memref<1344x64xf32, #tpu.memory_space<vmem>>, vector<16xf32>,
        %mul3A_706 = arith.mulf %get3A_250, %get3A_705 : vector<16xf32>
        %add3A_707 = arith.addf %add3A_700, %mul3A_706 : vector<16xf32>
        %add3A_708 = arith.constant 16 : i32
        %add3A_709 = arith.addi %mul3A_255, %add3A_708 : i32
        %get3A_710 = arith.index_cast %add3A_709 : i32 to index
        %get3A_711 = arith.constant 48 : index
        %get3A_712 = tpu.vector_load %arg10[%get3A_710, %get3A_711] {strides = array<i32>} : memref<1344x64xf32, #tpu.memory_space<vmem>>, vector<16xf32>,
        %mul3A_713 = arith.mulf %get3A_253, %get3A_712 : vector<16xf32>
        %add3A_714 = arith.addf %add3A_707, %mul3A_713 : vector<16xf32>
        %add3A_715 = arith.constant 17 : i32
        %add3A_716 = arith.addi %mul3A_255, %add3A_715 : i32
        %get3A_717 = arith.index_cast %add3A_716 : i32 to index
        %get3A_718 = arith.constant 0 : index
        %get3A_719 = tpu.vector_load %arg10[%get3A_717, %get3A_718] {strides = array<i32>} : memref<1344x64xf32, #tpu.memory_space<vmem>>, vector<16xf32>,
        %mul3A_720 = arith.mulf %get3A_244, %get3A_719 : vector<16xf32>
        %add3A_721 = arith.constant 17 : i32
        %add3A_722 = arith.addi %mul3A_255, %add3A_721 : i32
        %get3A_723 = arith.index_cast %add3A_722 : i32 to index
        %get3A_724 = arith.constant 16 : index
        %get3A_725 = tpu.vector_load %arg10[%get3A_723, %get3A_724] {strides = array<i32>} : memref<1344x64xf32, #tpu.memory_space<vmem>>, vector<16xf32>,
        %mul3A_726 = arith.mulf %get3A_247, %get3A_725 : vector<16xf32>
        %add3A_727 = arith.addf %mul3A_720, %mul3A_726 : vector<16xf32>
        %add3A_728 = arith.constant 17 : i32
        %add3A_729 = arith.addi %mul3A_255, %add3A_728 : i32
        %get3A_730 = arith.index_cast %add3A_729 : i32 to index
        %get3A_731 = arith.constant 32 : index
        %get3A_732 = tpu.vector_load %arg10[%get3A_730, %get3A_731] {strides = array<i32>} : memref<1344x64xf32, #tpu.memory_space<vmem>>, vector<16xf32>,
        %mul3A_733 = arith.mulf %get3A_250, %get3A_732 : vector<16xf32>
        %add3A_734 = arith.addf %add3A_727, %mul3A_733 : vector<16xf32>
        %add3A_735 = arith.constant 17 : i32
        %add3A_736 = arith.addi %mul3A_255, %add3A_735 : i32
        %get3A_737 = arith.index_cast %add3A_736 : i32 to index
        %get3A_738 = arith.constant 48 : index
        %get3A_739 = tpu.vector_load %arg10[%get3A_737, %get3A_738] {strides = array<i32>} : memref<1344x64xf32, #tpu.memory_space<vmem>>, vector<16xf32>,
        %mul3A_740 = arith.mulf %get3A_253, %get3A_739 : vector<16xf32>
        %add3A_741 = arith.addf %add3A_734, %mul3A_740 : vector<16xf32>
        %add3A_742 = arith.constant 18 : i32
        %add3A_743 = arith.addi %mul3A_255, %add3A_742 : i32
        %get3A_744 = arith.index_cast %add3A_743 : i32 to index
        %get3A_745 = arith.constant 0 : index
        %get3A_746 = tpu.vector_load %arg10[%get3A_744, %get3A_745] {strides = array<i32>} : memref<1344x64xf32, #tpu.memory_space<vmem>>, vector<16xf32>,
        %mul3A_747 = arith.mulf %get3A_244, %get3A_746 : vector<16xf32>
        %add3A_748 = arith.constant 18 : i32
        %add3A_749 = arith.addi %mul3A_255, %add3A_748 : i32
        %get3A_750 = arith.index_cast %add3A_749 : i32 to index
        %get3A_751 = arith.constant 16 : index
        %get3A_752 = tpu.vector_load %arg10[%get3A_750, %get3A_751] {strides = array<i32>} : memref<1344x64xf32, #tpu.memory_space<vmem>>, vector<16xf32>,
        %mul3A_753 = arith.mulf %get3A_247, %get3A_752 : vector<16xf32>
        %add3A_754 = arith.addf %mul3A_747, %mul3A_753 : vector<16xf32>
        %add3A_755 = arith.constant 18 : i32
        %add3A_756 = arith.addi %mul3A_255, %add3A_755 : i32
        %get3A_757 = arith.index_cast %add3A_756 : i32 to index
        %get3A_758 = arith.constant 32 : index
        %get3A_759 = tpu.vector_load %arg10[%get3A_757, %get3A_758] {strides = array<i32>} : memref<1344x64xf32, #tpu.memory_space<vmem>>, vector<16xf32>,
        %mul3A_760 = arith.mulf %get3A_250, %get3A_759 : vector<16xf32>
        %add3A_761 = arith.addf %add3A_754, %mul3A_760 : vector<16xf32>
        %add3A_762 = arith.constant 18 : i32
        %add3A_763 = arith.addi %mul3A_255, %add3A_762 : i32
        %get3A_764 = arith.index_cast %add3A_763 : i32 to index
        %get3A_765 = arith.constant 48 : index
        %get3A_766 = tpu.vector_load %arg10[%get3A_764, %get3A_765] {strides = array<i32>} : memref<1344x64xf32, #tpu.memory_space<vmem>>, vector<16xf32>,
        %mul3A_767 = arith.mulf %get3A_253, %get3A_766 : vector<16xf32>
        %add3A_768 = arith.addf %add3A_761, %mul3A_767 : vector<16xf32>
        %add3A_769 = arith.constant 19 : i32
        %add3A_770 = arith.addi %mul3A_255, %add3A_769 : i32
        %get3A_771 = arith.index_cast %add3A_770 : i32 to index
        %get3A_772 = arith.constant 0 : index
        %get3A_773 = tpu.vector_load %arg10[%get3A_771, %get3A_772] {strides = array<i32>} : memref<1344x64xf32, #tpu.memory_space<vmem>>, vector<16xf32>,
        %mul3A_774 = arith.mulf %get3A_244, %get3A_773 : vector<16xf32>
        %add3A_775 = arith.constant 19 : i32
        %add3A_776 = arith.addi %mul3A_255, %add3A_775 : i32
        %get3A_777 = arith.index_cast %add3A_776 : i32 to index
        %get3A_778 = arith.constant 16 : index
        %get3A_779 = tpu.vector_load %arg10[%get3A_777, %get3A_778] {strides = array<i32>} : memref<1344x64xf32, #tpu.memory_space<vmem>>, vector<16xf32>,
        %mul3A_780 = arith.mulf %get3A_247, %get3A_779 : vector<16xf32>
        %add3A_781 = arith.addf %mul3A_774, %mul3A_780 : vector<16xf32>
        %add3A_782 = arith.constant 19 : i32
        %add3A_783 = arith.addi %mul3A_255, %add3A_782 : i32
        %get3A_784 = arith.index_cast %add3A_783 : i32 to index
        %get3A_785 = arith.constant 32 : index
        %get3A_786 = tpu.vector_load %arg10[%get3A_784, %get3A_785] {strides = array<i32>} : memref<1344x64xf32, #tpu.memory_space<vmem>>, vector<16xf32>,
        %mul3A_787 = arith.mulf %get3A_250, %get3A_786 : vector<16xf32>
        %add3A_788 = arith.addf %add3A_781, %mul3A_787 : vector<16xf32>
        %add3A_789 = arith.constant 19 : i32
        %add3A_790 = arith.addi %mul3A_255, %add3A_789 : i32
        %get3A_791 = arith.index_cast %add3A_790 : i32 to index
        %get3A_792 = arith.constant 48 : index
        %get3A_793 = tpu.vector_load %arg10[%get3A_791, %get3A_792] {strides = array<i32>} : memref<1344x64xf32, #tpu.memory_space<vmem>>, vector<16xf32>,
        %mul3A_794 = arith.mulf %get3A_253, %get3A_793 : vector<16xf32>
        %add3A_795 = arith.addf %add3A_788, %mul3A_794 : vector<16xf32>
        %add3A_796 = arith.constant 20 : i32
        %add3A_797 = arith.addi %mul3A_255, %add3A_796 : i32
        %get3A_798 = arith.index_cast %add3A_797 : i32 to index
        %get3A_799 = arith.constant 0 : index
        %get3A_800 = tpu.vector_load %arg10[%get3A_798, %get3A_799] {strides = array<i32>} : memref<1344x64xf32, #tpu.memory_space<vmem>>, vector<16xf32>,
        %mul3A_801 = arith.mulf %get3A_244, %get3A_800 : vector<16xf32>
        %add3A_802 = arith.constant 20 : i32
        %add3A_803 = arith.addi %mul3A_255, %add3A_802 : i32
        %get3A_804 = arith.index_cast %add3A_803 : i32 to index
        %get3A_805 = arith.constant 16 : index
        %get3A_806 = tpu.vector_load %arg10[%get3A_804, %get3A_805] {strides = array<i32>} : memref<1344x64xf32, #tpu.memory_space<vmem>>, vector<16xf32>,
        %mul3A_807 = arith.mulf %get3A_247, %get3A_806 : vector<16xf32>
        %add3A_808 = arith.addf %mul3A_801, %mul3A_807 : vector<16xf32>
        %add3A_809 = arith.constant 20 : i32
        %add3A_810 = arith.addi %mul3A_255, %add3A_809 : i32
        %get3A_811 = arith.index_cast %add3A_810 : i32 to index
        %get3A_812 = arith.constant 32 : index
        %get3A_813 = tpu.vector_load %arg10[%get3A_811, %get3A_812] {strides = array<i32>} : memref<1344x64xf32, #tpu.memory_space<vmem>>, vector<16xf32>,
        %mul3A_814 = arith.mulf %get3A_250, %get3A_813 : vector<16xf32>
        %add3A_815 = arith.addf %add3A_808, %mul3A_814 : vector<16xf32>
        %add3A_816 = arith.constant 20 : i32
        %add3A_817 = arith.addi %mul3A_255, %add3A_816 : i32
        %get3A_818 = arith.index_cast %add3A_817 : i32 to index
        %get3A_819 = arith.constant 48 : index
        %get3A_820 = tpu.vector_load %arg10[%get3A_818, %get3A_819] {strides = array<i32>} : memref<1344x64xf32, #tpu.memory_space<vmem>>, vector<16xf32>,
        %mul3A_821 = arith.mulf %get3A_253, %get3A_820 : vector<16xf32>
        %add3A_822 = arith.addf %add3A_815, %mul3A_821 : vector<16xf32>
        %broadcast_in_dim3A = arith.constant 0.000000e+00 : f32
        %broadcast_in_dim3A_823 = vector.broadcast %broadcast_in_dim3A : f32 to vector<16xf32>
        %eq3A = arith.constant 0 : i32
        %eq3A_824 = vector.broadcast %eq3A : i32 to vector<16xi32>
        %eq3A_825 = arith.cmpi eq, %iota3A, %eq3A_824 : vector<16xi32>
        %reduce_sum3A = arith.constant true
        %reduce_sum3A_826 = vector.broadcast %reduce_sum3A : i1 to vector<16xi1>
        %reduce_sum3A_827 = tpu.scan <sum>, %add3A_282 masked %reduce_sum3A_826 : vector<16xf32>, vector<16xi1> -> vector<16xf32>
        %reduce_sum3A_828 = vector.extract %reduce_sum3A_827[15] : f32 from vector<16xf32>
        %broadcast_in_dim3A_829 = vector.broadcast %reduce_sum3A_828 : f32 to vector<16xf32>
        %select_n3A = arith.select %eq3A_825, %broadcast_in_dim3A_829, %broadcast_in_dim3A_823 : vector<16xi1>, vector<16xf32>
        %eq3A_830 = arith.constant 1 : i32
        %eq3A_831 = vector.broadcast %eq3A_830 : i32 to vector<16xi32>
        %eq3A_832 = arith.cmpi eq, %iota3A, %eq3A_831 : vector<16xi32>
        %reduce_sum3A_833 = arith.constant true
        %reduce_sum3A_834 = vector.broadcast %reduce_sum3A_833 : i1 to vector<16xi1>
        %reduce_sum3A_835 = tpu.scan <sum>, %add3A_309 masked %reduce_sum3A_834 : vector<16xf32>, vector<16xi1> -> vector<16xf32>
        %reduce_sum3A_836 = vector.extract %reduce_sum3A_835[15] : f32 from vector<16xf32>
        %broadcast_in_dim3A_837 = vector.broadcast %reduce_sum3A_836 : f32 to vector<16xf32>
        %select_n3A_838 = arith.select %eq3A_832, %broadcast_in_dim3A_837, %select_n3A : vector<16xi1>, vector<16xf32>
        %eq3A_839 = arith.constant 2 : i32
        %eq3A_840 = vector.broadcast %eq3A_839 : i32 to vector<16xi32>
        %eq3A_841 = arith.cmpi eq, %iota3A, %eq3A_840 : vector<16xi32>
        %reduce_sum3A_842 = arith.constant true
        %reduce_sum3A_843 = vector.broadcast %reduce_sum3A_842 : i1 to vector<16xi1>
        %reduce_sum3A_844 = tpu.scan <sum>, %add3A_336 masked %reduce_sum3A_843 : vector<16xf32>, vector<16xi1> -> vector<16xf32>
        %reduce_sum3A_845 = vector.extract %reduce_sum3A_844[15] : f32 from vector<16xf32>
        %broadcast_in_dim3A_846 = vector.broadcast %reduce_sum3A_845 : f32 to vector<16xf32>
        %select_n3A_847 = arith.select %eq3A_841, %broadcast_in_dim3A_846, %select_n3A_838 : vector<16xi1>, vector<16xf32>
        %eq3A_848 = arith.constant 3 : i32
        %eq3A_849 = vector.broadcast %eq3A_848 : i32 to vector<16xi32>
        %eq3A_850 = arith.cmpi eq, %iota3A, %eq3A_849 : vector<16xi32>
        %reduce_sum3A_851 = arith.constant true
        %reduce_sum3A_852 = vector.broadcast %reduce_sum3A_851 : i1 to vector<16xi1>
        %reduce_sum3A_853 = tpu.scan <sum>, %add3A_363 masked %reduce_sum3A_852 : vector<16xf32>, vector<16xi1> -> vector<16xf32>
        %reduce_sum3A_854 = vector.extract %reduce_sum3A_853[15] : f32 from vector<16xf32>
        %broadcast_in_dim3A_855 = vector.broadcast %reduce_sum3A_854 : f32 to vector<16xf32>
        %select_n3A_856 = arith.select %eq3A_850, %broadcast_in_dim3A_855, %select_n3A_847 : vector<16xi1>, vector<16xf32>
        %eq3A_857 = arith.constant 4 : i32
        %eq3A_858 = vector.broadcast %eq3A_857 : i32 to vector<16xi32>
        %eq3A_859 = arith.cmpi eq, %iota3A, %eq3A_858 : vector<16xi32>
        %reduce_sum3A_860 = arith.constant true
        %reduce_sum3A_861 = vector.broadcast %reduce_sum3A_860 : i1 to vector<16xi1>
        %reduce_sum3A_862 = tpu.scan <sum>, %add3A_390 masked %reduce_sum3A_861 : vector<16xf32>, vector<16xi1> -> vector<16xf32>
        %reduce_sum3A_863 = vector.extract %reduce_sum3A_862[15] : f32 from vector<16xf32>
        %broadcast_in_dim3A_864 = vector.broadcast %reduce_sum3A_863 : f32 to vector<16xf32>
        %select_n3A_865 = arith.select %eq3A_859, %broadcast_in_dim3A_864, %select_n3A_856 : vector<16xi1>, vector<16xf32>
        %eq3A_866 = arith.constant 5 : i32
        %eq3A_867 = vector.broadcast %eq3A_866 : i32 to vector<16xi32>
        %eq3A_868 = arith.cmpi eq, %iota3A, %eq3A_867 : vector<16xi32>
        %reduce_sum3A_869 = arith.constant true
        %reduce_sum3A_870 = vector.broadcast %reduce_sum3A_869 : i1 to vector<16xi1>
        %reduce_sum3A_871 = tpu.scan <sum>, %add3A_417 masked %reduce_sum3A_870 : vector<16xf32>, vector<16xi1> -> vector<16xf32>
        %reduce_sum3A_872 = vector.extract %reduce_sum3A_871[15] : f32 from vector<16xf32>
        %broadcast_in_dim3A_873 = vector.broadcast %reduce_sum3A_872 : f32 to vector<16xf32>
        %select_n3A_874 = arith.select %eq3A_868, %broadcast_in_dim3A_873, %select_n3A_865 : vector<16xi1>, vector<16xf32>
        %eq3A_875 = arith.constant 6 : i32
        %eq3A_876 = vector.broadcast %eq3A_875 : i32 to vector<16xi32>
        %eq3A_877 = arith.cmpi eq, %iota3A, %eq3A_876 : vector<16xi32>
        %reduce_sum3A_878 = arith.constant true
        %reduce_sum3A_879 = vector.broadcast %reduce_sum3A_878 : i1 to vector<16xi1>
        %reduce_sum3A_880 = tpu.scan <sum>, %add3A_444 masked %reduce_sum3A_879 : vector<16xf32>, vector<16xi1> -> vector<16xf32>
        %reduce_sum3A_881 = vector.extract %reduce_sum3A_880[15] : f32 from vector<16xf32>
        %broadcast_in_dim3A_882 = vector.broadcast %reduce_sum3A_881 : f32 to vector<16xf32>
        %select_n3A_883 = arith.select %eq3A_877, %broadcast_in_dim3A_882, %select_n3A_874 : vector<16xi1>, vector<16xf32>
        %eq3A_884 = arith.constant 7 : i32
        %eq3A_885 = vector.broadcast %eq3A_884 : i32 to vector<16xi32>
        %eq3A_886 = arith.cmpi eq, %iota3A, %eq3A_885 : vector<16xi32>
        %reduce_sum3A_887 = arith.constant true
        %reduce_sum3A_888 = vector.broadcast %reduce_sum3A_887 : i1 to vector<16xi1>
        %reduce_sum3A_889 = tpu.scan <sum>, %add3A_471 masked %reduce_sum3A_888 : vector<16xf32>, vector<16xi1> -> vector<16xf32>
        %reduce_sum3A_890 = vector.extract %reduce_sum3A_889[15] : f32 from vector<16xf32>
        %broadcast_in_dim3A_891 = vector.broadcast %reduce_sum3A_890 : f32 to vector<16xf32>
        %select_n3A_892 = arith.select %eq3A_886, %broadcast_in_dim3A_891, %select_n3A_883 : vector<16xi1>, vector<16xf32>
        %eq3A_893 = arith.constant 8 : i32
        %eq3A_894 = vector.broadcast %eq3A_893 : i32 to vector<16xi32>
        %eq3A_895 = arith.cmpi eq, %iota3A, %eq3A_894 : vector<16xi32>
        %reduce_sum3A_896 = arith.constant true
        %reduce_sum3A_897 = vector.broadcast %reduce_sum3A_896 : i1 to vector<16xi1>
        %reduce_sum3A_898 = tpu.scan <sum>, %add3A_498 masked %reduce_sum3A_897 : vector<16xf32>, vector<16xi1> -> vector<16xf32>
        %reduce_sum3A_899 = vector.extract %reduce_sum3A_898[15] : f32 from vector<16xf32>
        %broadcast_in_dim3A_900 = vector.broadcast %reduce_sum3A_899 : f32 to vector<16xf32>
        %select_n3A_901 = arith.select %eq3A_895, %broadcast_in_dim3A_900, %select_n3A_892 : vector<16xi1>, vector<16xf32>
        %eq3A_902 = arith.constant 9 : i32
        %eq3A_903 = vector.broadcast %eq3A_902 : i32 to vector<16xi32>
        %eq3A_904 = arith.cmpi eq, %iota3A, %eq3A_903 : vector<16xi32>
        %reduce_sum3A_905 = arith.constant true
        %reduce_sum3A_906 = vector.broadcast %reduce_sum3A_905 : i1 to vector<16xi1>
        %reduce_sum3A_907 = tpu.scan <sum>, %add3A_525 masked %reduce_sum3A_906 : vector<16xf32>, vector<16xi1> -> vector<16xf32>
        %reduce_sum3A_908 = vector.extract %reduce_sum3A_907[15] : f32 from vector<16xf32>
        %broadcast_in_dim3A_909 = vector.broadcast %reduce_sum3A_908 : f32 to vector<16xf32>
        %select_n3A_910 = arith.select %eq3A_904, %broadcast_in_dim3A_909, %select_n3A_901 : vector<16xi1>, vector<16xf32>
        %eq3A_911 = arith.constant 10 : i32
        %eq3A_912 = vector.broadcast %eq3A_911 : i32 to vector<16xi32>
        %eq3A_913 = arith.cmpi eq, %iota3A, %eq3A_912 : vector<16xi32>
        %reduce_sum3A_914 = arith.constant true
        %reduce_sum3A_915 = vector.broadcast %reduce_sum3A_914 : i1 to vector<16xi1>
        %reduce_sum3A_916 = tpu.scan <sum>, %add3A_552 masked %reduce_sum3A_915 : vector<16xf32>, vector<16xi1> -> vector<16xf32>
        %reduce_sum3A_917 = vector.extract %reduce_sum3A_916[15] : f32 from vector<16xf32>
        %broadcast_in_dim3A_918 = vector.broadcast %reduce_sum3A_917 : f32 to vector<16xf32>
        %select_n3A_919 = arith.select %eq3A_913, %broadcast_in_dim3A_918, %select_n3A_910 : vector<16xi1>, vector<16xf32>
        %eq3A_920 = arith.constant 11 : i32
        %eq3A_921 = vector.broadcast %eq3A_920 : i32 to vector<16xi32>
        %eq3A_922 = arith.cmpi eq, %iota3A, %eq3A_921 : vector<16xi32>
        %reduce_sum3A_923 = arith.constant true
        %reduce_sum3A_924 = vector.broadcast %reduce_sum3A_923 : i1 to vector<16xi1>
        %reduce_sum3A_925 = tpu.scan <sum>, %add3A_579 masked %reduce_sum3A_924 : vector<16xf32>, vector<16xi1> -> vector<16xf32>
        %reduce_sum3A_926 = vector.extract %reduce_sum3A_925[15] : f32 from vector<16xf32>
        %broadcast_in_dim3A_927 = vector.broadcast %reduce_sum3A_926 : f32 to vector<16xf32>
        %select_n3A_928 = arith.select %eq3A_922, %broadcast_in_dim3A_927, %select_n3A_919 : vector<16xi1>, vector<16xf32>
        %eq3A_929 = arith.constant 12 : i32
        %eq3A_930 = vector.broadcast %eq3A_929 : i32 to vector<16xi32>
        %eq3A_931 = arith.cmpi eq, %iota3A, %eq3A_930 : vector<16xi32>
        %reduce_sum3A_932 = arith.constant true
        %reduce_sum3A_933 = vector.broadcast %reduce_sum3A_932 : i1 to vector<16xi1>
        %reduce_sum3A_934 = tpu.scan <sum>, %add3A_606 masked %reduce_sum3A_933 : vector<16xf32>, vector<16xi1> -> vector<16xf32>
        %reduce_sum3A_935 = vector.extract %reduce_sum3A_934[15] : f32 from vector<16xf32>
        %broadcast_in_dim3A_936 = vector.broadcast %reduce_sum3A_935 : f32 to vector<16xf32>
        %select_n3A_937 = arith.select %eq3A_931, %broadcast_in_dim3A_936, %select_n3A_928 : vector<16xi1>, vector<16xf32>
        %eq3A_938 = arith.constant 13 : i32
        %eq3A_939 = vector.broadcast %eq3A_938 : i32 to vector<16xi32>
        %eq3A_940 = arith.cmpi eq, %iota3A, %eq3A_939 : vector<16xi32>
        %reduce_sum3A_941 = arith.constant true
        %reduce_sum3A_942 = vector.broadcast %reduce_sum3A_941 : i1 to vector<16xi1>
        %reduce_sum3A_943 = tpu.scan <sum>, %add3A_633 masked %reduce_sum3A_942 : vector<16xf32>, vector<16xi1> -> vector<16xf32>
        %reduce_sum3A_944 = vector.extract %reduce_sum3A_943[15] : f32 from vector<16xf32>
        %broadcast_in_dim3A_945 = vector.broadcast %reduce_sum3A_944 : f32 to vector<16xf32>
        %select_n3A_946 = arith.select %eq3A_940, %broadcast_in_dim3A_945, %select_n3A_937 : vector<16xi1>, vector<16xf32>
        %eq3A_947 = arith.constant 14 : i32
        %eq3A_948 = vector.broadcast %eq3A_947 : i32 to vector<16xi32>
        %eq3A_949 = arith.cmpi eq, %iota3A, %eq3A_948 : vector<16xi32>
        %reduce_sum3A_950 = arith.constant true
        %reduce_sum3A_951 = vector.broadcast %reduce_sum3A_950 : i1 to vector<16xi1>
        %reduce_sum3A_952 = tpu.scan <sum>, %add3A_660 masked %reduce_sum3A_951 : vector<16xf32>, vector<16xi1> -> vector<16xf32>
        %reduce_sum3A_953 = vector.extract %reduce_sum3A_952[15] : f32 from vector<16xf32>
        %broadcast_in_dim3A_954 = vector.broadcast %reduce_sum3A_953 : f32 to vector<16xf32>
        %select_n3A_955 = arith.select %eq3A_949, %broadcast_in_dim3A_954, %select_n3A_946 : vector<16xi1>, vector<16xf32>
        %eq3A_956 = arith.constant 15 : i32
        %eq3A_957 = vector.broadcast %eq3A_956 : i32 to vector<16xi32>
        %eq3A_958 = arith.cmpi eq, %iota3A, %eq3A_957 : vector<16xi32>
        %reduce_sum3A_959 = arith.constant true
        %reduce_sum3A_960 = vector.broadcast %reduce_sum3A_959 : i1 to vector<16xi1>
        %reduce_sum3A_961 = tpu.scan <sum>, %add3A_687 masked %reduce_sum3A_960 : vector<16xf32>, vector<16xi1> -> vector<16xf32>
        %reduce_sum3A_962 = vector.extract %reduce_sum3A_961[15] : f32 from vector<16xf32>
        %broadcast_in_dim3A_963 = vector.broadcast %reduce_sum3A_962 : f32 to vector<16xf32>
        %select_n3A_964 = arith.select %eq3A_958, %broadcast_in_dim3A_963, %select_n3A_955 : vector<16xi1>, vector<16xf32>
        %swap3A = arith.index_cast %scan3A_242 : i32 to index
        %swap3A_965 = arith.constant 0 : index
        %swap3A_966 = tpu.vector_load %arg11[%swap3A, %swap3A_965] {strides = array<i32>} : memref<64x32xf32, #tpu.memory_space<vmem>>, vector<16xf32>,
        tpu.vector_store %arg11[%swap3A, %swap3A_965], %select_n3A_964 {strides = array<i32>} : memref<64x32xf32, #tpu.memory_space<vmem>>, vector<16xf32>,
        %broadcast_in_dim3A_967 = arith.constant 0.000000e+00 : f32
        %broadcast_in_dim3A_968 = vector.broadcast %broadcast_in_dim3A_967 : f32 to vector<16xf32>
        %eq3A_969 = arith.constant 0 : i32
        %eq3A_970 = vector.broadcast %eq3A_969 : i32 to vector<16xi32>
        %eq3A_971 = arith.cmpi eq, %iota3A, %eq3A_970 : vector<16xi32>
        %reduce_sum3A_972 = arith.constant true
        %reduce_sum3A_973 = vector.broadcast %reduce_sum3A_972 : i1 to vector<16xi1>
        %reduce_sum3A_974 = tpu.scan <sum>, %add3A_714 masked %reduce_sum3A_973 : vector<16xf32>, vector<16xi1> -> vector<16xf32>
        %reduce_sum3A_975 = vector.extract %reduce_sum3A_974[15] : f32 from vector<16xf32>
        %broadcast_in_dim3A_976 = vector.broadcast %reduce_sum3A_975 : f32 to vector<16xf32>
        %select_n3A_977 = arith.select %eq3A_971, %broadcast_in_dim3A_976, %broadcast_in_dim3A_968 : vector<16xi1>, vector<16xf32>
        %eq3A_978 = arith.constant 1 : i32
        %eq3A_979 = vector.broadcast %eq3A_978 : i32 to vector<16xi32>
        %eq3A_980 = arith.cmpi eq, %iota3A, %eq3A_979 : vector<16xi32>
        %reduce_sum3A_981 = arith.constant true
        %reduce_sum3A_982 = vector.broadcast %reduce_sum3A_981 : i1 to vector<16xi1>
        %reduce_sum3A_983 = tpu.scan <sum>, %add3A_741 masked %reduce_sum3A_982 : vector<16xf32>, vector<16xi1> -> vector<16xf32>
        %reduce_sum3A_984 = vector.extract %reduce_sum3A_983[15] : f32 from vector<16xf32>
        %broadcast_in_dim3A_985 = vector.broadcast %reduce_sum3A_984 : f32 to vector<16xf32>
        %select_n3A_986 = arith.select %eq3A_980, %broadcast_in_dim3A_985, %select_n3A_977 : vector<16xi1>, vector<16xf32>
        %eq3A_987 = arith.constant 2 : i32
        %eq3A_988 = vector.broadcast %eq3A_987 : i32 to vector<16xi32>
        %eq3A_989 = arith.cmpi eq, %iota3A, %eq3A_988 : vector<16xi32>
        %reduce_sum3A_990 = arith.constant true
        %reduce_sum3A_991 = vector.broadcast %reduce_sum3A_990 : i1 to vector<16xi1>
        %reduce_sum3A_992 = tpu.scan <sum>, %add3A_768 masked %reduce_sum3A_991 : vector<16xf32>, vector<16xi1> -> vector<16xf32>
        %reduce_sum3A_993 = vector.extract %reduce_sum3A_992[15] : f32 from vector<16xf32>
        %broadcast_in_dim3A_994 = vector.broadcast %reduce_sum3A_993 : f32 to vector<16xf32>
        %select_n3A_995 = arith.select %eq3A_989, %broadcast_in_dim3A_994, %select_n3A_986 : vector<16xi1>, vector<16xf32>
        %eq3A_996 = arith.constant 3 : i32
        %eq3A_997 = vector.broadcast %eq3A_996 : i32 to vector<16xi32>
        %eq3A_998 = arith.cmpi eq, %iota3A, %eq3A_997 : vector<16xi32>
        %reduce_sum3A_999 = arith.constant true
        %reduce_sum3A_1000 = vector.broadcast %reduce_sum3A_999 : i1 to vector<16xi1>
        %reduce_sum3A_1001 = tpu.scan <sum>, %add3A_795 masked %reduce_sum3A_1000 : vector<16xf32>, vector<16xi1> -> vector<16xf32>
        %reduce_sum3A_1002 = vector.extract %reduce_sum3A_1001[15] : f32 from vector<16xf32>
        %broadcast_in_dim3A_1003 = vector.broadcast %reduce_sum3A_1002 : f32 to vector<16xf32>
        %select_n3A_1004 = arith.select %eq3A_998, %broadcast_in_dim3A_1003, %select_n3A_995 : vector<16xi1>, vector<16xf32>
        %eq3A_1005 = arith.constant 4 : i32
        %eq3A_1006 = vector.broadcast %eq3A_1005 : i32 to vector<16xi32>
        %eq3A_1007 = arith.cmpi eq, %iota3A, %eq3A_1006 : vector<16xi32>
        %reduce_sum3A_1008 = arith.constant true
        %reduce_sum3A_1009 = vector.broadcast %reduce_sum3A_1008 : i1 to vector<16xi1>
        %reduce_sum3A_1010 = tpu.scan <sum>, %add3A_822 masked %reduce_sum3A_1009 : vector<16xf32>, vector<16xi1> -> vector<16xf32>
        %reduce_sum3A_1011 = vector.extract %reduce_sum3A_1010[15] : f32 from vector<16xf32>
        %broadcast_in_dim3A_1012 = vector.broadcast %reduce_sum3A_1011 : f32 to vector<16xf32>
        %select_n3A_1013 = arith.select %eq3A_1007, %broadcast_in_dim3A_1012, %select_n3A_1004 : vector<16xi1>, vector<16xf32>
        %swap3A_1014 = arith.index_cast %scan3A_242 : i32 to index
        %swap3A_1015 = arith.constant 16 : index
        %swap3A_1016 = tpu.vector_load %arg11[%swap3A_1014, %swap3A_1015] {strides = array<i32>} : memref<64x32xf32, #tpu.memory_space<vmem>>, vector<16xf32>,
        tpu.vector_store %arg11[%swap3A_1014, %swap3A_1015], %select_n3A_1013 {strides = array<i32>} : memref<64x32xf32, #tpu.memory_space<vmem>>, vector<16xf32>,
      }
      %scan3A_240 = arith.constant 64 : i32
      %add3A_241 = arith.addi %mul3A_2, %mul3A_12 : i32
      "tpu.region"() ({
        %run_scoped3A = tpu.sem_alloc : memref<!tpu.dma_semaphore, #tpu.memory_space<semaphore_mem>>
        %dma_start3A_242 = arith.constant 0 : i32
        %dma_start3A_243 = tpu.memref_slice %arg6[%add3A_241, %dma_start3A_242] : memref<16384x32xf32, #tpu.memory_space<hbm>> -> memref<64x32xf32, #tpu.memory_space<hbm>>
        %dma_start3A_244 = arith.constant 0 : i32
        %dma_start3A_245 = tpu.memref_slice %arg6[%add3A_241, %dma_start3A_244] : memref<16384x32xf32, #tpu.memory_space<hbm>> -> memref<64x32xf32, #tpu.memory_space<hbm>>
        tpu.enqueue_dma source(%arg11 : memref<64x32xf32, #tpu.memory_space<vmem>>) target(%dma_start3A_245 : memref<64x32xf32, #tpu.memory_space<hbm>>) target_semaphore(%run_scoped3A : memref<!tpu.dma_semaphore, #tpu.memory_space<semaphore_mem>>)
        %dma_wait3A_246 = arith.constant 0 : i32
        %dma_wait3A_247 = tpu.memref_slice %arg6[%add3A_241, %dma_wait3A_246] : memref<16384x32xf32, #tpu.memory_space<hbm>> -> memref<64x32xf32, #tpu.memory_space<hbm>>
        %dma_wait3A_248 = arith.constant 0 : i32
        %dma_wait3A_249 = tpu.memref_slice %arg6[%add3A_241, %dma_wait3A_248] : memref<16384x32xf32, #tpu.memory_space<hbm>> -> memref<64x32xf32, #tpu.memory_space<hbm>>
        tpu.wait_dma2 semaphore(%run_scoped3A : memref<!tpu.dma_semaphore, #tpu.memory_space<semaphore_mem>>) src(%arg11 : memref<64x32xf32, #tpu.memory_space<vmem>>) dst(%dma_wait3A_249 : memref<64x32xf32, #tpu.memory_space<hbm>>)
        tpu.yield
      }) : () -> ()
    }
    %scan3A_9 = arith.constant 8 : i32
    return
  }
}

module attributes {stable_mosaic.version = 14 : i64} {
  func.func @_loss_body(%arg0: memref<4096x128xf32, #tpu.memory_space<vmem>>, %arg1: memref<1x1xf32, #tpu.memory_space<smem>>) attributes {dimension_semantics = [], scalar_prefetch = 0 : i64, scratch_operands = 0 : i64, tpu.core_type = #tpu.core_type<tc>} {
    %get3A = arith.constant 0 : index
    %get3A_0 = arith.constant 0 : index
    %get3A_1 = vector.load %arg0[%get3A, %get3A_0] : memref<4096x128xf32, #tpu.memory_space<vmem>>, vector<4096x128xf32>
    %iota3A = tpu.iota {dimensions = array<i32: 1>} : vector<4096x128xi32>
    %jit3A = arith.constant 32 : i32
    %eq3A = arith.constant 0 : i32
    %eq3A_2 = arith.cmpi eq, %jit3A, %eq3A : i32
    %jit3A_3 = arith.constant 1 : i32
    %select_n3A = arith.select %eq3A_2, %jit3A_3, %jit3A : i32
    %rem3A = vector.broadcast %select_n3A : i32 to vector<4096x128xi32>
    %rem3A_4 = arith.remsi %iota3A, %rem3A : vector<4096x128xi32>
    %ne3A = arith.constant 0 : i32
    %ne3A_5 = vector.broadcast %ne3A : i32 to vector<4096x128xi32>
    %ne3A_6 = arith.cmpi ne, %rem3A_4, %ne3A_5 : vector<4096x128xi32>
    %lt3A = arith.constant 0 : i32
    %lt3A_7 = vector.broadcast %lt3A : i32 to vector<4096x128xi32>
    %lt3A_8 = arith.cmpi slt, %rem3A_4, %lt3A_7 : vector<4096x128xi32>
    %lt3A_9 = arith.constant 0 : i32
    %lt3A_10 = arith.cmpi slt, %select_n3A, %lt3A_9 : i32
    %ne3A_11 = vector.broadcast %lt3A_10 : i1 to vector<4096x128xi1>
    %ne3A_12 = vector.broadcast %ne3A_11 : vector<4096x128xi1> to vector<4096x128xi1>
    %ne3A_13 = arith.xori %lt3A_8, %ne3A_12 : vector<4096x128xi1>
    %and3A = arith.andi %ne3A_13, %ne3A_6 : vector<4096x128xi1>
    %add3A = vector.broadcast %select_n3A : i32 to vector<4096x128xi32>
    %add3A_14 = arith.addi %rem3A_4, %add3A : vector<4096x128xi32>
    %select_n3A_15 = arith.select %and3A, %add3A_14, %rem3A_4 : vector<4096x128xi1>, vector<4096x128xi32>
    %eq3A_16 = arith.constant 0 : i32
    %eq3A_17 = vector.broadcast %eq3A_16 : i32 to vector<4096x128xi32>
    %eq3A_18 = arith.cmpi eq, %select_n3A_15, %eq3A_17 : vector<4096x128xi32>
    %lt3A_19 = arith.constant 21 : i32
    %lt3A_20 = vector.broadcast %lt3A_19 : i32 to vector<4096x128xi32>
    %lt3A_21 = arith.cmpi slt, %select_n3A_15, %lt3A_20 : vector<4096x128xi32>
    %neg3A = arith.constant 0.000000e+00 : f32
    %neg3A_22 = vector.broadcast %neg3A : f32 to vector<4096x128xf32>
    %neg3A_23 = arith.subf %neg3A_22, %get3A_1 : vector<4096x128xf32>
    %select_n3A_24 = arith.select %eq3A_18, %get3A_1, %neg3A_23 : vector<4096x128xi1>, vector<4096x128xf32>
    %logistic3A = arith.negf %select_n3A_24 : vector<4096x128xf32>
    %logistic3A_25 = math.exp %logistic3A : vector<4096x128xf32>
    %logistic3A_26 = arith.constant 1.000000e+00 : f32
    %logistic3A_27 = vector.broadcast %logistic3A_26 : f32 to vector<4096x128xf32>
    %logistic3A_28 = arith.addf %logistic3A_27, %logistic3A_25 : vector<4096x128xf32>
    %logistic3A_29 = arith.divf %logistic3A_27, %logistic3A_28 : vector<4096x128xf32>
    %add3A_30 = arith.constant 9.99999996E-13 : f32
    %add3A_31 = vector.broadcast %add3A_30 : f32 to vector<4096x128xf32>
    %add3A_32 = arith.addf %logistic3A_29, %add3A_31 : vector<4096x128xf32>
    %log3A = math.log %add3A_32 : vector<4096x128xf32>
    %neg3A_33 = arith.constant 0.000000e+00 : f32
    %neg3A_34 = vector.broadcast %neg3A_33 : f32 to vector<4096x128xf32>
    %neg3A_35 = arith.subf %neg3A_34, %log3A : vector<4096x128xf32>
    %jit3A_36 = arith.constant 0.000000e+00 : f32
    %broadcast_in_dim3A = vector.broadcast %jit3A_36 : f32 to vector<4096x128xf32>
    %select_n3A_37 = arith.select %lt3A_21, %neg3A_35, %broadcast_in_dim3A : vector<4096x128xi1>, vector<4096x128xf32>
    %reduce_sum3A = vector.shape_cast %select_n3A_37 : vector<4096x128xf32> to vector<1x4096x128xf32>
    %reduce_sum3A_38 = arith.constant dense<0.000000e+00> : vector<1xf32>
    %reduce_sum3A_39 = vector.multi_reduction <add>, %reduce_sum3A, %reduce_sum3A_38 [1, 2] : vector<1x4096x128xf32> to vector<1xf32>
    %reduce_sum3A_40 = vector.shape_cast %reduce_sum3A_39 : vector<1xf32> to vector<1x1x1xf32>
    %reduce_sum3A_41 = vector.extract %reduce_sum3A_40[0, 0, 0] : f32 from vector<1x1x1xf32>
    %mul3A = arith.constant 6.10351563E-5 : f32
    %mul3A_42 = arith.mulf %reduce_sum3A_41, %mul3A : f32
    %swap3A = arith.constant 0 : index
    %swap3A_43 = arith.constant 0 : index
    %swap3A_44 = memref.load %arg1[%swap3A, %swap3A_43] : memref<1x1xf32, #tpu.memory_space<smem>>
    memref.store %mul3A_42, %arg1[%swap3A, %swap3A_43] : memref<1x1xf32, #tpu.memory_space<smem>>
    return
  }
}

</mosaic_0001>

<sc_bundles>
// kernel: kernel.4.cloned.1.call-start
scs
__scs_entry_jumppad:
0x0: {  	(pc) =	sbr.rel $0x88, $3  }
0x1: {  	(tag) =	ssettag $0x0;
	lr =	simm.s32 $0x1  }
0x2: {  	[smem:$0x3F9C] =	sst lr;
	_ =	strace $0xD0000000  }
0x3: {  	_ = 	snop  }
0x4: {  	_ = 	snop  }
0x5: {  	_ = 	snop  }
0x6: {  	_ = 	snop  }
0x7: {  	_ = 	snop  }
__scs_overlays_trampoline_lowered:
0x8: {  	[smem:$0x3FAB] =	sst s0  }
0x9: {  	[smem:$0x3FAC] =	sst s1  }
0xa: {  	[smem:$0x3FAD] =	sst s2  }
0xb: {  	[smem:$0x3FAE] =	sst s3  }
0xc: {  	[smem:$0x3FAF] =	sst s4  }
0xd: {  	[smem:$0x3FB0] =	sst s5  }
0xe: {  	[smem:$0x3FB1] =	sst s6  }
0xf: {  	[smem:$0x3FB2] =	sst s7  }
0x10: {  	[smem:$0x3FB3] =	sst s8  }
0x11: {  	[smem:$0x3FB4] =	sst s9;
	s0 =	simm.s32 @!p0 $0x0  }
0x12: {  	s1 =	sld [smem:$0x3F9A];
	s0 =	simm.s32 @p0 $0x1  }
0x13: {  	[smem:$0x3FB5] =	sst s0;
	s0 =	simm.s32 @!p1 $0x0  }
0x14: {  	s2 =	sld [smem:$0x3F99];
	s0 =	simm.s32 @p1 $0x1  }
0x15: {  	[smem:$0x3FB6] =	sst s0;
	s0 =	simm.s32 @!p2 $0x0  }
0x16: {  	s3 =	sld [smem:$0x3FDB];
	s0 =	simm.s32 @p2 $0x1  }
0x17: {  	s4 =	simm.s32 $0x1BF5;
	[smem:$0x3FB8] =	sst s0  }
0x18: {  	s0 =	sld [smem:$0x3F9B];
	_ =	swait.ge [sflag:s4], $0x0  }
0x19: {  	s7 =	sld [smem:$0x3F9C]  }
0x1a: {  	s8 =	sadd.s32 $0xFFFFE003, lr  }
0x1b: {  	s9 =	sadd.s32 $0xFFFFFEF7, lr;
	s5 =	simm.s32 $0xFFFFFFFF;
	p2 =	slt.u32 s8, $0xFFFFF086  }
0x1c: {  	p1 =	slt.u32 s9, $0xF7A;
	s5 =	simm.s32 @!p2 $0x0  }
0x1d: {  	s5 =	simm.s32 @p1 $0x1;
	p0 =	seq.s32 s7, s2  }
0x1e: {  	s7 =	smul.u32 @!p0 $0xF7A, s2;
	p2 =	seq.s32 @!p0 s5, $0x0  }
0x1f: {  	s9 =	smul.u32 $0xF7A, s1;
	s8 =	simm.s32 @!p0 $0x1BF5;
	p2 =	por !p2, p0  }
0x20: {  	[sflag:s8] =	ssyncset.s32 @!p0 $0xFFFFF086;
	s6 =	sadd.s32 @!p0 s3, s7;
	s7 =	simm.s32 @!p0 $0x108  }
0x21: {  	s3 =	sadd.s32 s3, s9;
	s6 =	sadd.s32 @!p0 $0x88, s6;
	s7 =	simm.s32 @p2 $0x1082  }
0x22: {  	[simem:s7], [sflag:s8] =	dma.local @!p0 [hbm:s6], $0xF7A  }
0x23: {  	s9 =	sor.u32 $0xD0000000, s2;
	s6 =	simm.s32 $0x108;
	_ =	swait.ge @!p0 [sflag:s8], $0x0  }
0x24: {  	s3 =	sadd.s32 $0x88, s3;
	s6 =	simm.s32 @!p1 $0x1082;
	[sflag:s4] =	ssyncset.s32 $0xFFFFF086  }
0x25: {  	[simem:s6], [sflag:s4] =	dma.local [hbm:s3], $0xF7A  }
0x26: {  	[smem:$0x3F9C] =	sst s1;
	(tag) =	ssettag s2;
	_ =	strace s9  }
0x27: {  	s1 =	sld [smem:$0x3FAC]  }
0x28: {  	s2 =	sld [smem:$0x3FAD]  }
0x29: {  	s4 =	sld [smem:$0x3FAF]  }
0x2a: {  	p0 =	seq.s32 s5, $0x0;
	s5 =	sld [smem:$0x3FB0]  }
0x2b: {  	s6 =	sld [smem:$0x3FB1]  }
0x2c: {  	s7 =	sld [smem:$0x3FB2]  }
0x2d: {  	s3 =	simm.s32 $0x108;
	s8 =	sld [smem:$0x3FB3]  }
0x2e: {  	s3 =	simm.s32 @!p0 $0x1082;
	s9 =	sld [smem:$0x3FB4]  }
0x2f: {  	lr =	sadd.s32 s0, s3;
	s0 =	sld [smem:$0x3FAB]  }
0x30: {  	s3 =	sld [smem:$0x3FAE]  }
0x31: {  	[smem:$0x3FB7] =	sst s10  }
0x32: {  	s10 =	sld [smem:$0x3FB5];
	_ =	sdelay $0x3  }
0x33: {  	p0 =	seq.s32 s10, $0x1;
	s10 =	sld [smem:$0x3FB7];
	_ =	sdelay $0x3  }
0x34: {  	[smem:$0x3FB7] =	sst s10  }
0x35: {  	s10 =	sld [smem:$0x3FB6];
	_ =	sdelay $0x3  }
0x36: {  	p1 =	seq.s32 s10, $0x1;
	s10 =	sld [smem:$0x3FB7];
	_ =	sdelay $0x3  }
0x37: {  	[smem:$0x3FB7] =	sst s10  }
0x38: {  	s10 =	sld [smem:$0x3FB8]  }
0x39: {  	_ = 	snop;
	(pc) =	sbr.ind lr, $3  }
0x3a: {  	_ = 	snop  }
0x3b: {  	_ = 	snop  }
0x3c: {  	p2 =	seq.s32 s10, $0x1;
	s10 =	sld [smem:$0x3FB7]  }
0x3d: {  	_ =	shalt  }
0x3e: {  	_ =	shalt  }
0x3f: {  	_ =	shalt  }
0x40: {  	_ =	shalt  }
0x41: {  	_ =	shalt  }
0x42: {  	_ =	shalt  }
0x43: {  	_ =	shalt  }
0x44: {  	_ =	shalt  }
0x45: {  	_ =	shalt  }
0x46: {  	_ =	shalt  }
0x47: {  	_ =	shalt  }
0x48: {  	_ =	shalt  }
0x49: {  	_ =	shalt  }
0x4a: {  	_ =	shalt  }
0x4b: {  	_ =	shalt  }
0x4c: {  	_ =	shalt  }
0x4d: {  	_ =	shalt  }
0x4e: {  	_ =	shalt  }
0x4f: {  	_ =	shalt  }
0x50: {  	_ =	shalt  }
0x51: {  	_ =	shalt  }
0x52: {  	_ =	shalt  }
0x53: {  	_ =	shalt  }
0x54: {  	_ =	shalt  }
0x55: {  	_ =	shalt  }
0x56: {  	_ =	shalt  }
0x57: {  	_ =	shalt  }
0x58: {  	_ =	shalt  }
0x59: {  	_ =	shalt  }
0x5a: {  	_ =	shalt  }
0x5b: {  	_ =	shalt  }
0x5c: {  	_ =	shalt  }
0x5d: {  	_ =	shalt  }
0x5e: {  	_ =	shalt  }
0x5f: {  	_ =	shalt  }
0x60: {  	_ =	shalt  }
0x61: {  	_ =	shalt  }
0x62: {  	_ =	shalt  }
0x63: {  	_ =	shalt  }
0x64: {  	_ =	shalt  }
0x65: {  	_ =	shalt  }
0x66: {  	_ =	shalt  }
0x67: {  	_ =	shalt  }
0x68: {  	_ =	shalt  }
0x69: {  	_ =	shalt  }
0x6a: {  	_ =	shalt  }
0x6b: {  	_ =	shalt  }
0x6c: {  	_ =	shalt  }
0x6d: {  	_ =	shalt  }
0x6e: {  	_ =	shalt  }
0x6f: {  	_ =	shalt  }
0x70: {  	_ =	shalt  }
0x71: {  	_ =	shalt  }
0x72: {  	_ =	shalt  }
0x73: {  	_ =	shalt  }
0x74: {  	_ =	shalt  }
0x75: {  	_ =	shalt  }
0x76: {  	_ =	shalt  }
0x77: {  	_ =	shalt  }
0x78: {  	_ =	shalt  }
0x79: {  	_ =	shalt  }
0x7a: {  	_ =	shalt  }
0x7b: {  	_ =	shalt  }
0x7c: {  	_ =	shalt  }
0x7d: {  	_ =	shalt  }
0x7e: {  	_ =	shalt  }
0x7f: {  	_ =	shalt  }
0x80: {  	_ =	shalt  }
0x81: {  	_ =	shalt  }
0x82: {  	_ =	shalt  }
0x83: {  	_ =	shalt  }
0x84: {  	_ =	shalt  }
0x85: {  	_ =	shalt  }
0x86: {  	_ =	shalt  }
0x87: {  	_ =	shalt  }
.Lfunc_end0:
.L_simem_size_0:
called_computation_lowered:
.L_overlay_start_0:
0x88: {  	s2 =	sld [smem:$0x3FD9]  }
0x89: {  	s3 =	sld [smem:$0x3FFE];
	_ =	sdelay $0x1  }
0x8a: {  	s1 =	srdreg.scid  }
0x8b: {  	s0 =	sand.u32 $0x1, s1  }
0x8c: {  	s17 =	sshll.u32 s0, $0xA;
	s2 =	sadd.s32 s3, s2  }
0x8d: {  	s2 =	sadd.s32 s2, s17  }
0x8e: {  	[smem:$0x3FC3] =	sst s2  }
0x8f: {  	_ = 	snop  }
0x90: {  	s2 =	sld [smem:$0x3FC9];
	(tm) =	ssettm $0x1  }
0x91: {  	s18 =	sld [smem:$0x3FFB];
	_ =	sdelay $0x3  }
0x92: {  	_ =	strace s18  }
0x93: {  	s3 =	sld [smem:$0x3FFC];
	_ =	sdelay $0x3  }
0x94: {  	_ =	strace s3  }
0x95: {  	s3 =	sld [smem:$0x3FFD];
	_ =	sdelay $0x3  }
0x96: {  	_ =	strace s3  }
0x97: {  	_ =	strace $0x8FFFFFFF  }
0x98: {  	s19 =	sld [smem:$0x3FDB];
	_ =	sdelay $0x1  }
0x99: {  	s4 =	simm.s32 $_scs_section_size  }
0x9a: {  	s5 =	simm.s32 $_size__tile_overlayer_lowered;
	s6 =	simm.s32 $_tile_overlayer_lowered  }
0x9b: {  	s22 =	simm.s32 $0x1BFF;
	s21 =	sshll.u32 s6, $0x1;
	s3 =	sadd.s32 s4, s19  }
0x9c: {  	s7 =	simm.s32 $0x0;
	s20 =	sshll.u32 s5, $0x1;
	s5 =	sadd.s32 s21, s3  }
0x9d: {  	[timem:s7], [sflag:s22] =	dma.local [hbm:s5], s20  }
0x9e: {  	_ =	swait.ge [sflag:s22], s20  }
0x9f: {  	s4 =	ssub.s32 $0x0, s20;
	[sflag:s22] =	ssyncset.done $0x0  }
0xa0: {  	[sflag:s22] =	ssyncadd.s32 s4;
	_ =	sdelay $0x1  }
0xa1: {  	s23 =	simm.s32 $0x1B8B  }
0xa2: {  	_ =	swait.ge [sflag:s23], $0x1  }
0xa3: {  	[sflag:s23] =	ssyncset.done $0x0  }
0xa4: {  	s25 =	simm.s32 $0x1B8E;
	s24 =	sld [smem:$0x3FFE];
	[sflag:s23] =	ssyncadd.s32 $0xFFFFFFFF  }
0xa5: {  	s26 =	simm.s32 $execute0_lowered;
	[smem:$0x3FD2] =	sst s25  }
0xa6: {  	s5 =	sshll.u32 s26, $0x1;
	_ =	strace $0x80000046;
	[dreg:$0x1] =	wrdreg $0xFFFFFFFF  }
0xa7: {  	s28 =	simm.s32 $_size_execute0_lowered;
	s3 =	sadd.s32 s3, s5;
	[dreg:$0x0] =	wrdreg $0x0  }
0xa8: {  	s5 =	sshll.u32 s28, $0x1;
	[dreg:$0x2] =	wrdreg s3  }
0xa9: {  	[dreg:$0x3] =	wrdreg s5  }
0xaa: {  	[dreg:$0x4] =	wrdreg $0xC0  }
0xab: {  	_ =	task [dreg:s7], $0x5FFFF  }
0xac: {  	[dreg:$0x1] =	wrdreg $0xFFFFFFFF  }
0xad: {  	[dreg:$0x0] =	wrdreg $0x60  }
0xae: {  	[dreg:$0x2] =	wrdreg s2  }
0xaf: {  	[dreg:$0x3] =	wrdreg s24  }
0xb0: {  	[dreg:$0x4] =	wrdreg $0x9  }
0xb1: {  	_ =	task.clear_ibuf [dreg:s7], $0x5FFFF;
	_ =	strace $0x90000046  }
0xb2: {  	s29 =	simm.s32 $0x9;
	_ =	strace $0x80000048  }
0xb3: {  	_ =	swait.ge [sflag:s29], $0x1  }
0xb4: {  	[sflag:s29] =	ssyncadd.s32 $0xFFFFFFFF  }
0xb5: {  	_ =	strace $0x90000048  }
0xb6: {  	_ =	sfence  }
0xb7: {  	s30 =	sld [smem:$0x0];
	_ =	sdelay $0x2  }
0xb8: {  	s31 =	sshll.u32 s1, $0xD;
	s1 =	sshrl.u32 s1, $0x2  }
0xb9: {  	s3 =	sand.u32 $0x4000, s31;
	s1 =	sadd.s32 s1, s30  }
0xba: {  	s0 =	sor.u32 s3, s0;
	s1 =	sshll.u32 s1, $0x11  }
0xbb: {  	s0 =	sor.u32 s1, s0  }
0xbc: {  	s0 =	sadd.s32 $0x8F2B, s0  }
0xbd: {  	[sflag:s0] =	ssyncadd.remote.s32 $0x1  }
0xbe: {  	_ =	sfence.sel $0xFFFF  }
0xbf: {  	[dreg:$0x0] =	wrdreg $0xFFFFFFFF;
	(pc) =	sbr.abs _section_cstart, $3  }
0xc0: {  	[dreg:$0x1] =	wrdreg $0xFFFFFFFF  }
0xc1: {  	_ =	task.clear_ibuf [dreg:s7], $0x2FFFF;
	_ =	strace $0x9FFFFFFF  }
0xc2: {  	(tm) =	ssettm $0x7FFFFFFF  }
0xc3: {  	_ =	shalt  }
tec
execute0_lowered:
.L_overlay_start_1:
0x0: {  	(tag) =	ssettag $0x1  }
0x1: {  	s0 =	rddreg [dreg:$0x0];
	s1 =	srdreg.scid  }
0x2: {  	s2 =	stileid.u32;
	s5 =	rddreg [dreg:$0x1];
	s11 =	simm.s32 $0x40  }
0x3: {  	s12 =	simm.s32 $0x2C00;
	s13 =	simm.s32 $0x70;
	s14 =	simm.s32 $0x3C00  }
0x4: {  	s15 =	simm.s32 $0x5800;
	s16 =	simm.s32 $0x7400;
	s17 =	simm.s32 $0x9000  }
0x5: {  	s18 =	simm.s32 $0xAC00;
	s19 =	simm.s32 $0xC800;
	s20 =	simm.s32 $0xE400  }
0x6: {  	s21 =	simm.s32 $0x10000;
	s22 =	simm.s32 $0x11C00;
	s23 =	simm.s32 $0x13800  }
0x7: {  	s24 =	simm.s32 $0x15400;
	s25 =	simm.s32 $0x17000;
	s26 =	simm.s32 $0x1  }
0x8: {  	s28 =	simm.s32 $0x18C00;
	s29 =	simm.s32 $0x0;
	s1 =	sand.u32 $0x1, s1  }
0x9: {  	s3 =	sshll.u32 s2, $0x1;
	s2 =	simm.s32 $0x0;
	s4 =	sadd.s32 $0xF42E00, s5  }
0xa: {  	s6 =	sor.u32 s1, s3;
	[smem:$0x7FF] =	sst s2;
	s1 =	ssub.s32 $0x2, s1  }
0xb: {  	vm0 =	vmmov $0x1;
	vm1 =	vmmov $0x3;
	vm2 =	vmmov $0x7;
	s3 =	smul.u32 $0x540, s6;
	_ =	strace $0x80000047;
	s8 =	sshll.u32 s6, $0xB  }
0xc: {  	vm3 =	vmmov $0xf;
	vm4 =	vmmov $0x1f;
	vm5 =	vmmov $0x3f;
	s9 =	sshrl.u32 s1, $0x1;
	s31 =	sshll.u32 s6, $0x6;
	s8 =	sadd.s32 s8, s5  }
0xd: {  	vm6 =	vmmov $0x7f;
	vm7 =	vmmov $0xff;
	vm8 =	vmmov $0x1ff;
	s1 =	ssub.s32 s1, s9;
	s0 =	sadd.s32 s0, s31;
	s9 =	simm.s32 $0x2  }
0xe: {  	vm9 =	vmmov $0x3ff;
	vm10 =	vmmov $0x7ff;
	vm11 =	vmmov $0xfff;
	s7 =	sadd.s32 s3, s5;
	s3 =	sadd.s32 $0x16E4000, s5;
	[dreg:$0x3] =	wrdreg s0  }
0xf: {  	vm12 =	vmmov $0x1fff;
	vm13 =	vmmov $0x3fff;
	vm14 =	vmmov $0x7fff;
	s6 =	sadd.s32 $0xA00, s7;
	s7 =	sadd.s32 $0xB200, s8;
	s8 =	smax.u32 s1, $0x1  }
.LBB2_1:
0x10: {  	s0 =	rddreg [dreg:$0x3]  }
0x11: {  	[tilespmem:s2], [sflag:$0x2] =	stream.linear.gather [hbm4b:s0+s2], $0x200, $0x38;
	[tilespmem:$0x19400] =	vst v63  }
0x12: {  	_ =	swait.ge [sflag:s9], $0x200  }
0x13: {  	[sflag:s9] =	ssyncset.done $0x0  }
0x14: {  	s31 =	simm.s32 $0x200;
	[sflag:s9] =	ssyncadd.s32 $0xFFFFFE00  }
0x15: {  	[tilespmem:s31], [sflag:$0x2] =	stream.linear.gather [hbm4b:s6+s2], $0x2A00, $0x38;
	[tilespmem:$0x19400] =	vst v63  }
0x16: {  	_ =	swait.ge [sflag:s9], $0x2A00  }
0x17: {  	[sflag:s9] =	ssyncset.done $0x0  }
0x18: {  	s30 =	simm.s32 $0x0;
	[sflag:s9] =	ssyncadd.s32 $0xFFFFD600  }
.LBB2_2:
0x19: {  	s31 =	sshll.u32 s30, $0x8  }
0x1a: {  	s1 =	smul.u32 $0x1500, s30;
	s0 =	sshrl.u32 s31, $0x2  }
0x1b: {  	[tilespmem:s12], [sflag:$0x1] =	stream.indirect.gather [hbm4b:s3+s11], $0x40, s0, s11, $0xb8;
	[tilespmem:$0x19400] =	vst v63  }
0x1c: {  	s0 =	sshra.s32 s1, $0x2  }
0x1d: {  	s1 =	sadd.s32 $0x200, s0  }
0x1e: {  	[tilespmem:s14], [sflag:$0x1] =	stream.indirect.gather [hbm4b:s4+s13], $0x40, s1, s13, $0xb8;
	[tilespmem:$0x19400] =	vst v63  }
0x1f: {  	s5 =	sadd.s32 $0x270, s0  }
0x20: {  	[tilespmem:s15], [sflag:$0x1] =	stream.indirect.gather [hbm4b:s4+s13], $0x40, s5, s13, $0xb8;
	[tilespmem:$0x19400] =	vst v63  }
0x21: {  	s10 =	sadd.s32 $0x2E0, s0  }
0x22: {  	[tilespmem:s16], [sflag:$0x1] =	stream.indirect.gather [hbm4b:s4+s13], $0x40, s10, s13, $0xb8;
	[tilespmem:$0x19400] =	vst v63  }
0x23: {  	s5 =	sadd.s32 $0x350, s0  }
0x24: {  	[tilespmem:s17], [sflag:$0x1] =	stream.indirect.gather [hbm4b:s4+s13], $0x40, s5, s13, $0xb8;
	[tilespmem:$0x19400] =	vst v63  }
0x25: {  	s10 =	sadd.s32 $0x3C0, s0  }
0x26: {  	[tilespmem:s18], [sflag:$0x1] =	stream.indirect.gather [hbm4b:s4+s13], $0x40, s10, s13, $0xb8;
	[tilespmem:$0x19400] =	vst v63  }
0x27: {  	s5 =	sadd.s32 $0x430, s0  }
0x28: {  	[tilespmem:s19], [sflag:$0x1] =	stream.indirect.gather [hbm4b:s4+s13], $0x40, s5, s13, $0xb8;
	[tilespmem:$0x19400] =	vst v63  }
0x29: {  	s10 =	sadd.s32 $0x4A0, s0  }
0x2a: {  	[tilespmem:s20], [sflag:$0x1] =	stream.indirect.gather [hbm4b:s4+s13], $0x40, s10, s13, $0xb8;
	[tilespmem:$0x19400] =	vst v63  }
0x2b: {  	s5 =	sadd.s32 $0x510, s0  }
0x2c: {  	[tilespmem:s21], [sflag:$0x1] =	stream.indirect.gather [hbm4b:s4+s13], $0x40, s5, s13, $0xb8;
	[tilespmem:$0x19400] =	vst v63  }
0x2d: {  	s10 =	sadd.s32 $0x580, s0  }
0x2e: {  	[tilespmem:s22], [sflag:$0x1] =	stream.indirect.gather [hbm4b:s4+s13], $0x40, s10, s13, $0xb8;
	[tilespmem:$0x19400] =	vst v63  }
0x2f: {  	s5 =	sadd.s32 $0x5F0, s0  }
0x30: {  	[tilespmem:s23], [sflag:$0x1] =	stream.indirect.gather [hbm4b:s4+s13], $0x40, s5, s13, $0xb8;
	[tilespmem:$0x19400] =	vst v63  }
0x31: {  	s10 =	sadd.s32 $0x660, s0  }
0x32: {  	[tilespmem:s24], [sflag:$0x1] =	stream.indirect.gather [hbm4b:s4+s13], $0x40, s10, s13, $0xb8;
	[tilespmem:$0x19400] =	vst v63  }
0x33: {  	s0 =	sadd.s32 $0x6D0, s0  }
0x34: {  	[tilespmem:s25], [sflag:$0x1] =	stream.indirect.gather [hbm4b:s4+s13], $0x40, s0, s13, $0xb8;
	[tilespmem:$0x19400] =	vst v63  }
0x35: {  	_ =	swait.ge [sflag:s26], $0x1000  }
0x36: {  	[sflag:s26] =	ssyncset.done $0x0  }
0x37: {  	[sflag:s26] =	ssyncadd.s32 $0xFFFFF000  }
0x38: {  	_ =	swait.ge [sflag:s26], $0x1C00  }
0x39: {  	[sflag:s26] =	ssyncset.done $0x0  }
0x3a: {  	[sflag:s26] =	ssyncadd.s32 $0xFFFFE400  }
0x3b: {  	_ =	swait.ge [sflag:s26], $0x1C00  }
0x3c: {  	[sflag:s26] =	ssyncset.done $0x0  }
0x3d: {  	[sflag:s26] =	ssyncadd.s32 $0xFFFFE400  }
0x3e: {  	_ =	swait.ge [sflag:s26], $0x1C00  }
0x3f: {  	[sflag:s26] =	ssyncset.done $0x0  }
0x40: {  	[sflag:s26] =	ssyncadd.s32 $0xFFFFE400  }
0x41: {  	_ =	swait.ge [sflag:s26], $0x1C00  }
0x42: {  	[sflag:s26] =	ssyncset.done $0x0  }
0x43: {  	[sflag:s26] =	ssyncadd.s32 $0xFFFFE400  }
0x44: {  	_ =	swait.ge [sflag:s26], $0x1C00  }
0x45: {  	[sflag:s26] =	ssyncset.done $0x0  }
0x46: {  	[sflag:s26] =	ssyncadd.s32 $0xFFFFE400  }
0x47: {  	_ =	swait.ge [sflag:s26], $0x1C00  }
0x48: {  	[sflag:s26] =	ssyncset.done $0x0  }
0x49: {  	[sflag:s26] =	ssyncadd.s32 $0xFFFFE400  }
0x4a: {  	_ =	swait.ge [sflag:s26], $0x1C00  }
0x4b: {  	[sflag:s26] =	ssyncset.done $0x0  }
0x4c: {  	[sflag:s26] =	ssyncadd.s32 $0xFFFFE400  }
0x4d: {  	_ =	swait.ge [sflag:s26], $0x1C00  }
0x4e: {  	[sflag:s26] =	ssyncset.done $0x0  }
0x4f: {  	[sflag:s26] =	ssyncadd.s32 $0xFFFFE400  }
0x50: {  	_ =	swait.ge [sflag:s26], $0x1C00  }
0x51: {  	[sflag:s26] =	ssyncset.done $0x0  }
0x52: {  	[sflag:s26] =	ssyncadd.s32 $0xFFFFE400  }
0x53: {  	_ =	swait.ge [sflag:s26], $0x1C00  }
0x54: {  	[sflag:s26] =	ssyncset.done $0x0  }
0x55: {  	[sflag:s26] =	ssyncadd.s32 $0xFFFFE400  }
0x56: {  	_ =	swait.ge [sflag:s26], $0x1C00  }
0x57: {  	[sflag:s26] =	ssyncset.done $0x0  }
0x58: {  	[sflag:s26] =	ssyncadd.s32 $0xFFFFE400  }
0x59: {  	_ =	swait.ge [sflag:s26], $0x1C00  }
0x5a: {  	s1 =	simm.s32 $0x0;
	[sflag:s26] =	ssyncset.done $0x0  }
0x5b: {  	s10 =	simm.s32 $0x2C20;
	s0 =	simm.s32 $0x3EA0;
	[sflag:s26] =	ssyncadd.s32 $0xFFFFE400  }
.LBB2_3:
0x5c: {  	v2 =	vld [tilespmem:s10+$0xFFFFFFE0]  }
0x5d: {  	v3 =	vld [tilespmem:s10+$0xFFFFFFF0]  }
0x5e: {  	v1 =	vld [tilespmem:s10+$0x0]  }
0x5f: {  	v0 =	vld [tilespmem:s10+$0x10]  }
0x60: {  	v4 =	vld [tilespmem:s0+$0xFFFFFD60]  }
0x61: {  	v5 =	vld [tilespmem:s0+$0xFFFFFD70]  }
0x62: {  	v6 =	vld [tilespmem:s0+$0xFFFFFD80]  }
0x63: {  	v7 =	vld [tilespmem:s0+$0xFFFFFD90]  }
0x64: {  	v8 =	vld [tilespmem:s0+$0xFFFFFDA0]  }
0x65: {  	v9 =	vld [tilespmem:s0+$0xFFFFFDB0]  }
0x66: {  	v10 =	vld [tilespmem:s0+$0xFFFFFDC0]  }
0x67: {  	v11 =	vld [tilespmem:s0+$0xFFFFFDD0]  }
0x68: {  	v12 =	vld [tilespmem:s0+$0xFFFFFDE0]  }
0x69: {  	v13 =	vld [tilespmem:s0+$0xFFFFFDF0]  }
0x6a: {  	v14 =	vld [tilespmem:s0+$0xFFFFFE00]  }
0x6b: {  	v15 =	vld [tilespmem:s0+$0xFFFFFE10]  }
0x6c: {  	v16 =	vld [tilespmem:s0+$0xFFFFFE20]  }
0x6d: {  	v17 =	vld [tilespmem:s0+$0xFFFFFE30]  }
0x6e: {  	v18 =	vld [tilespmem:s0+$0xFFFFFE40]  }
0x6f: {  	v19 =	vld [tilespmem:s0+$0xFFFFFE50]  }
0x70: {  	v20 =	vld [tilespmem:s0+$0xFFFFFE60]  }
0x71: {  	v21 =	vld [tilespmem:s0+$0xFFFFFE70]  }
0x72: {  	v22 =	vld [tilespmem:s0+$0xFFFFFE80]  }
0x73: {  	v23 =	vld [tilespmem:s0+$0xFFFFFE90]  }
0x74: {  	v24 =	vld [tilespmem:s0+$0xFFFFFEA0]  }
0x75: {  	v25 =	vld [tilespmem:s0+$0xFFFFFEB0]  }
0x76: {  	v26 =	vld [tilespmem:s0+$0xFFFFFEC0]  }
0x77: {  	v27 =	vld [tilespmem:s0+$0xFFFFFED0]  }
0x78: {  	v28 =	vld [tilespmem:s0+$0xFFFFFEE0]  }
0x79: {  	v29 =	vld [tilespmem:s0+$0xFFFFFEF0]  }
0x7a: {  	v30 =	vld [tilespmem:s0+$0xFFFFFF00]  }
0x7b: {  	v31 =	vld [tilespmem:s0+$0xFFFFFF10]  }
0x7c: {  	v32 =	vld [tilespmem:s0+$0xFFFFFF20]  }
0x7d: {  	v33 =	vld [tilespmem:s0+$0xFFFFFF30]  }
0x7e: {  	v34 =	vld [tilespmem:s0+$0xFFFFFF40]  }
0x7f: {  	v35 =	vld [tilespmem:s0+$0xFFFFFF50]  }
0x80: {  	v36 =	vld [tilespmem:s0+$0xFFFFFF60]  }
0x81: {  	v37 =	vld [tilespmem:s0+$0xFFFFFF70]  }
0x82: {  	v38 =	vld [tilespmem:s0+$0xFFFFFF80]  }
0x83: {  	v39 =	vld [tilespmem:s0+$0xFFFFFF90]  }
0x84: {  	v40 =	vld [tilespmem:s0+$0xFFFFFFA0]  }
0x85: {  	v41 =	vld [tilespmem:s0+$0xFFFFFFB0]  }
0x86: {  	v42 =	vld [tilespmem:s0+$0xFFFFFFC0];
	v4 =	vmul.f32 v4, v2;
	v5 =	vmul.f32 v5, v3  }
0x87: {  	v43 =	vld [tilespmem:s0+$0xFFFFFFD0];
	v6 =	vmul.f32 v6, v1;
	v51 =	vmul.f32 v8, v2  }
0x88: {  	v44 =	vld [tilespmem:s0+$0xFFFFFFE0];
	v52 =	vmul.f32 v9, v3;
	v12 =	vmul.f32 v12, v2  }
0x89: {  	v45 =	vld [tilespmem:s0+$0x0];
	v13 =	vmul.f32 v13, v3;
	v53 =	vmul.f32 v10, v1  }
0x8a: {  	v9 =	vld [tilespmem:s0+$0xFFFFFFF0];
	v7 =	vmul.f32 v7, v0;
	v55 =	vmul.f32 v14, v1  }
0x8b: {  	v8 =	vld [tilespmem:s0+$0x10];
	v56 =	vmul.f32 v11, v0;
	v58 =	vmul.f32 v15, v0  }
0x8c: {  	v11 =	vld [tilespmem:s0+$0x30];
	v59 =	vmul.f32 v16, v2;
	v60 =	vmul.f32 v17, v3  }
0x8d: {  	v15 =	vld [tilespmem:s0+$0x50];
	v61 =	vmul.f32 v20, v2;
	v62 =	vmul.f32 v21, v3  }
0x8e: {  	v17 =	vld [tilespmem:s0+$0x60];
	v63 =	vmul.f32 v18, v1;
	v46 =	vmul.f32 v19, v0  }
0x8f: {  	v19 =	vld [tilespmem:s0+$0x70];
	v47 =	vmul.f32 v22, v1;
	v48 =	vmul.f32 v23, v0  }
0x90: {  	v21 =	vld [tilespmem:s0+$0x80];
	v49 =	vmul.f32 v24, v2;
	v50 =	vmul.f32 v25, v3  }
0x91: {  	v23 =	vld [tilespmem:s0+$0x90];
	v27 =	vmul.f32 v27, v0;
	v31 =	vmul.f32 v31, v0  }
0x92: {  	v25 =	vld [tilespmem:s0+$0xA0];
	v39 =	vmul.f32 v39, v0;
	v40 =	vmul.f32 v40, v2;
	v4 =	vadd.f32 v5, v4  }
0x93: {  	v22 =	vld [tilespmem:s0+$0xB0];
	v41 =	vmul.f32 v41, v3;
	v5 =	vadd.f32 v52, v51;
	v54 =	vadd.f32 v13, v12  }
0x94: {  	v24 =	vld [tilespmem:s0+$0xC0];
	v10 =	vadd.f32 v62, v61;
	v51 =	vmul.f32 v28, v2;
	v52 =	vmul.f32 v29, v3  }
0x95: {  	v13 =	vld [tilespmem:s0+$0x20];
	v14 =	vadd.f32 v50, v49;
	v62 =	vmul.f32 v38, v1;
	v38 =	vmul.f32 v35, v0  }
0x96: {  	v12 =	vld [tilespmem:s0+$0x40];
	v49 =	vmul.f32 v45, v1;
	v4 =	vadd.f32 v6, v4;
	v5 =	vadd.f32 v53, v5  }
0x97: {  	v28 =	vld [tilespmem:s0+$0xD0];
	v57 =	vadd.f32 v55, v54;
	v53 =	vmul.f32 v26, v1;
	v54 =	vmul.f32 v30, v1  }
0x98: {  	v61 =	vld [tilespmem:s0+$0xF0];
	v6 =	vadd.f32 v60, v59;
	v55 =	vmul.f32 v32, v2;
	v60 =	vmul.f32 v34, v1  }
0x99: {  	v35 =	vld [tilespmem:s0+$0x130];
	v10 =	vadd.f32 v47, v10;
	v47 =	vmul.f32 v42, v1;
	v9 =	vmul.f32 v9, v3  }
0x9a: {  	v50 =	vld [tilespmem:s0+$0x160];
	v16 =	vadd.f32 v52, v51;
	v8 =	vmul.f32 v8, v0;
	v11 =	vmul.f32 v11, v3  }
0x9b: {  	v29 =	vld [tilespmem:s0+$0x180];
	v26 =	vadd.f32 v41, v40;
	v17 =	vmul.f32 v17, v2;
	v19 =	vmul.f32 v19, v3  }
0x9c: {  	v45 =	vld [tilespmem:s0+$0x210];
	v15 =	vmul.f32 v15, v0;
	v4 =	vadd.f32 v7, v4;
	v5 =	vadd.f32 v56, v5  }
0x9d: {  	v59 =	vld [tilespmem:s0+$0xE0];
	v23 =	vmul.f32 v23, v0;
	v7 =	vadd.f32 v58, v57;
	v6 =	vadd.f32 v63, v6  }
0x9e: {  	v51 =	vld [tilespmem:s0+$0x170];
	v10 =	vadd.f32 v48, v10;
	v14 =	vadd.f32 v53, v14;
	v56 =	vmul.f32 v33, v3  }
0x9f: {  	v40 =	vld [tilespmem:s0+$0x1F0];
	v16 =	vadd.f32 v54, v16;
	v57 =	vmul.f32 v36, v2;
	v58 =	vmul.f32 v37, v3  }
0xa0: {  	v42 =	vld [tilespmem:s0+$0x200];
	v48 =	vmul.f32 v43, v0;
	v26 =	vadd.f32 v47, v26;
	v53 =	vmul.f32 v21, v1  }
0xa1: {  	v63 =	vld [tilespmem:s0+$0x100];
	v54 =	vmul.f32 v25, v2;
	v13 =	vmul.f32 v13, v2;
	v52 =	vadd.f32 v19, v17  }
0xa2: {  	v36 =	vld [tilespmem:s0+$0x140];
	v12 =	vmul.f32 v12, v1;
	v6 =	vadd.f32 v46, v6;
	v18 =	vadd.f32 v56, v55  }
0xa3: {  	v19 =	vld [tilespmem:s0+$0x1A0];
	v37 =	vmul.f32 v28, v0;
	v20 =	vadd.f32 v58, v57;
	v14 =	vadd.f32 v27, v14  }
0xa4: {  	v27 =	vld [tilespmem:s0+$0x110];
	v16 =	vadd.f32 v31, v16;
	v46 =	vmul.f32 v44, v2;
	v55 =	vmul.f32 v22, v3  }
0xa5: {  	v31 =	vld [tilespmem:s0+$0x120];
	v26 =	vadd.f32 v48, v26;
	v58 =	vmul.f32 v61, v3;
	v44 =	vmul.f32 v35, v3  }
0xa6: {  	v56 =	vld [tilespmem:s0+$0x1B0];
	(xrf2) =	vadd.scan.msk.f32 $0xffff, v4;
	v11 =	vadd.f32 v11, v13;
	v57 =	vmul.f32 v59, v2;
	v47 =	vmul.f32 v51, v3  }
0xa7: {  	v61 =	vld [tilespmem:s0+$0x1D0];
	(xrf2) =	vadd.scan.msk.f32 $0xffff, v5;
	v4 =	vmul.f32 v40, v3;
	v5 =	vmul.f32 v42, v1;
	v18 =	vadd.f32 v60, v18  }
0xa8: {  	v48 =	vld [tilespmem:s0+$0x220];
	v20 =	vadd.f32 v62, v20;
	v9 =	vadd.f32 v9, v46;
	v60 =	vmul.f32 v24, v1  }
0xa9: {  	v13 =	vld [tilespmem:s0+$0x190];
	v46 =	vmul.f32 v50, v2;
	v11 =	vadd.f32 v12, v11;
	v12 =	vadd.f32 v55, v54  }
0xaa: {  	v59 =	vld [tilespmem:s0+$0x1C0];
	(xrf2) =	vadd.scan.msk.f32 $0xffff, v7;
	v7 =	vmul.f32 v45, v0;
	v17 =	vadd.f32 v58, v57;
	v18 =	vadd.f32 v38, v18  }
0xab: {  	v51 =	vld [tilespmem:s0+$0x230];
	v62 =	vmul.f32 v63, v1;
	v20 =	vadd.f32 v39, v20;
	v9 =	vadd.f32 v49, v9  }
0xac: {  	v63 =	vld [tilespmem:s0+$0x1E0];
	v49 =	vmul.f32 v36, v1;
	v21 =	vadd.f32 v47, v46;
	v19 =	vmul.f32 v19, v2  }
0xad: {  	v54 =	vld [tilespmem:s0+$0x260];
	v11 =	vadd.f32 v15, v11;
	v12 =	vadd.f32 v60, v12;
	v41 =	vmul.f32 v27, v0  }
0xae: {  	(xrf2) =	vadd.scan.msk.f32 $0xffff, v6;
	v58 =	vld [tilespmem:s0+$0x250];
	v17 =	vadd.f32 v62, v17;
	v43 =	vmul.f32 v31, v2;
	v22 =	vmul.f32 v56, v3  }
0xaf: {  	v38 =	vld [tilespmem:s0+$0x150];
	(xrf2) =	vadd.scan.msk.f32 $0xffff, v10;
	v60 =	vmul.f32 v61, v0;
	v62 =	vmul.f32 v48, v2;
	v8 =	vadd.f32 v8, v9  }
0xb0: {  	v24 =	vld [tilespmem:s0+$0x290];
	(xrf2) =	vadd.scan.msk.f32 $0xffff, v14;
	v9 =	vadd.f32 v53, v52;
	v52 =	vmul.f32 v29, v1;
	v13 =	vmul.f32 v13, v0  }
0xb1: {  	v56 =	vld [tilespmem:s0+$0x270];
	(xrf2) =	vadd.scan.msk.f32 $0xffff, v16;
	v57 =	vmul.f32 v59, v1;
	v12 =	vadd.f32 v37, v12;
	v17 =	vadd.f32 v41, v17  }
0xb2: {  	v53 =	vld [tilespmem:s0+$0x240];
	v15 =	vadd.f32 v44, v43;
	(xrf2) =	vadd.scan.msk.f32 $0xffff, v18;
	v19 =	vadd.f32 v22, v19;
	v55 =	vmul.f32 v63, v2  }
0xb3: {  	v59 =	vld [tilespmem:s0+$0x280];
	v9 =	vadd.f32 v23, v9;
	(xrf2) =	vadd.scan.msk.f32 $0xffff, v20;
	v63 =	vmul.f32 v51, v3;
	v2 =	vmul.f32 v54, v2  }
0xb4: {  	v21 =	vadd.f32 v52, v21;
	v30 =	vmul.f32 v58, v0;
	v50 =	vmul.f32 v38, v0;
	(xrf2) =	vadd.scan.msk.f32 $0xffff, v26  }
0xb5: {  	v15 =	vadd.f32 v49, v15;
	v19 =	vadd.f32 v57, v19;
	v0 =	vmul.f32 v24, v0;
	v61, _, _ =	vpop (xrf2);
	(xrf2) =	vadd.scan.msk.f32 $0xffff, v8  }
0xb6: {  	v13 =	vadd.f32 v13, v21;
	v4 =	vadd.f32 v4, v55;
	v3 =	vmul.f32 v56, v3;
	v25, _, _ =	vpop (xrf2);
	(xrf2) =	vadd.scan.msk.f32 $0xffff, v11  }
0xb7: {  	v15 =	vadd.f32 v50, v15;
	v26 =	vadd.f32 v60, v19;
	v28 =	vmul.f32 v53, v1;
	v27, _, _ =	vpop (xrf2);
	(xrf2) =	vadd.scan.msk.f32 $0xffff, v9  }
0xb8: {  	v1 =	vmul.f32 v59, v1;
	v4 =	vadd.f32 v5, v4;
	v5 =	vadd.f32 v63, v62;
	v29, _, _ =	vpop (xrf2);
	(xrf2) =	vadd.scan.msk.f32 $0xffff, v12  }
0xb9: {  	v32 =	vbroadcast v61, $0xF;
	v2 =	vadd.f32 v3, v2;
	v10 =	vbroadcast v25, $0xF;
	v31, _, _ =	vpop (xrf2);
	(xrf2) =	vadd.scan.msk.f32 $0xffff, v17  }
0xba: {  	v34 =	vbroadcast v27, $0xF;
	v4 =	vadd.f32 v7, v4;
	v5 =	vadd.f32 v28, v5;
	v33, _, _ =	vpop (xrf2);
	(xrf2) =	vadd.scan.msk.f32 $0xffff, v15  }
0xbb: {  	v1 =	vadd.f32 v1, v2;
	v6 =	vsel vm0, v32, v10;
	v7 =	vbroadcast v29, $0xF;
	v35, _, _ =	vpop (xrf2);
	(xrf2) =	vadd.scan.msk.f32 $0xffff, v13  }
0xbc: {  	v37 =	vsel vm1, v6, v34;
	v38 =	vbroadcast v31, $0xF;
	v5 =	vadd.f32 v30, v5;
	v36, _, _ =	vpop (xrf2);
	(xrf2) =	vadd.scan.msk.f32 $0xffff, v26  }
0xbd: {  	v0 =	vadd.f32 v0, v1;
	v1 =	vsel vm2, v37, v7;
	v40 =	vbroadcast v33, $0xF;
	v39, _, _ =	vpop (xrf2);
	(xrf2) =	vadd.scan.msk.f32 $0xffff, v4  }
0xbe: {  	v1 =	vsel vm3, v1, v38;
	v42 =	vbroadcast v35, $0xF;
	v41, _, _ =	vpop (xrf2);
	(xrf2) =	vadd.scan.msk.f32 $0xffff, v5  }
0xbf: {  	v1 =	vsel vm4, v1, v40;
	v45 =	vbroadcast v36, $0xF;
	v43, _, _ =	vpop (xrf2);
	(xrf2) =	vadd.scan.msk.f32 $0xffff, v0  }
0xc0: {  	v1 =	vsel vm5, v1, v42;
	v47 =	vbroadcast v39, $0xF;
	v44, _, _ =	vpop (xrf2)  }
0xc1: {  	v1 =	vsel vm6, v1, v45;
	v49 =	vbroadcast v41, $0xF;
	v46, _, _ =	vpop (xrf2)  }
0xc2: {  	v1 =	vsel vm7, v1, v47;
	v51 =	vbroadcast v43, $0xF;
	v48, _, _ =	vpop (xrf2)  }
0xc3: {  	v1 =	vsel vm8, v1, v49;
	v0 =	vbroadcast v44, $0xF;
	v50, _, _ =	vpop (xrf2)  }
0xc4: {  	v1 =	vsel vm9, v1, v51;
	v54 =	vbroadcast v46, $0xF;
	v52, _, _ =	vpop (xrf2)  }
0xc5: {  	v0 =	vsel vm10, v1, v0;
	v58 =	vbroadcast v48, $0xF;
	v53, _, _ =	vpop (xrf2)  }
0xc6: {  	v0 =	vsel vm11, v0, v54;
	v6 =	vbroadcast v50, $0xF;
	v55, _, _ =	vpop (xrf2);
	v56 =	vbroadcast v53, $0xF  }
0xc7: {  	vm15 =	vcmask $0x314;
	v0 =	vsel vm12, v0, v58;
	v57, _, _ =	vpop (xrf2);
	v59 =	vbroadcast v55, $0xF  }
0xc8: {  	p0 =	sne.s32 s1, $0x1F80;
	v0 =	vsel vm13, v0, v6;
	v60, _, _ =	vpop (xrf2);
	v1 =	vnsel vm0, $0x0, v56;
	v4 =	vbroadcast v57, $0xF  }
.Ltmp0:
0xc9: {  	v1 =	vsel vm15, v1, v59;
	v61 =	vbroadcast v60, $0xF;
	v62, _, _ =	vpop (xrf2);
	vm15 =	vcmask $0x714;
	(pc) =	sbr.rel @p0 .LBB2_3-.Ltmp0, $4  }
0xca: {  	v1 =	vsel vm15, v1, v4;
	v3 =	vbroadcast v62, $0xF;
	vm15 =	vcmask $0xB14  }
0xcb: {  	s5 =	sshra.s32 s1, $0x2;
	v0 =	vsel vm14, v0, v52;
	v1 =	vsel vm15, v1, v61;
	vm15 =	vcmask $0xF14  }
0xcc: {  	[tilespmem:s5+$0x18C00] =	vst v0;
	v63 =	vsel vm15, v1, v3  }
0xcd: {  	s10 =	sadd.s32 $0x40, s10;
	s1 =	sadd.s32 $0x80, s1;
	s0 =	sadd.s32 $0x540, s0;
	[tilespmem:s5+$0x18C10] =	vst v63  }
0xce: {  	s30 =	sadd.s32 $0x1, s30  }
0xcf: {  	p0 =	sne.s32 s30, $0x8  }
.Ltmp1:
0xd0: {  	s0 =	sadd.s32 s31, s7;
	(pc) =	sbr.rel @p0 .LBB2_2-.Ltmp1, $4  }
0xd1: {  	[hbm4b:s0+s2] =	stream.linear.scatter [tilespmem:s28], [sflag:$0x2], $0x800, $0x38;
	[tilespmem:$0x19400] =	vst v63  }
0xd2: {  	_ =	swait.ge [sflag:s9], $0x800  }
0xd3: {  	[sflag:s9] =	ssyncset.done $0x0  }
0xd4: {  	[sflag:s9] =	ssyncadd.s32 $0xFFFFF800  }
0xd5: {  	s29 =	sadd.s32 $0x1, s29  }
0xd6: {  	p0 =	sne.s32 s29, s8  }
.Ltmp2:
0xd7: {  	_ = 	snop;
	(pc) =	sbr.rel @p0 .LBB2_1-.Ltmp2, $1  }
0xd8: {  	_ =	sdelay $0x3  }
0xd9: {  	_ =	sfence.sel $0x180000  }
0xda: {  	[bflag:$0x0] =	sbarrier.arrive $0xFFFF  }
0xdb: {  	_ =	strace $0x90000047  }
0xdc: {  	s0 =	stileid.u32;
	[bflag:$0x2] =	sbarrier.arrive $0xFFFF  }
0xdd: {  	p0 =	sne.s32 s0, $0x0;
	s0 =	rddreg [dreg:$0x2]  }
0xde: {  	s0 =	sadd.s32 @!p0 $0x100000, s0  }
0xdf: {  	[sflag:s0] =	ssyncadd.tile.s32 @!p0 $0x1;
	_ =	shalt  }
.Lfunc_end2:
_tile_overlayer_lowered:
.L_overlay_start_2:
0xe0: {  	(tag) =	ssettag $0x2  }
0xe1: {  	s0 =	rddreg [dreg:$0x0];
	s2 =	stileid.u32  }
0xe2: {  	s1 =	rddreg [dreg:$0x1];
	p0 =	sne.s32 s2, $0x0  }
0xe3: {  	s3 =	rddreg [dreg:$0x2];
	[bflag:$0x3] =	sbarrier.arrive $0xFFFF;
	s2 =	simm.s32 @!p0 $0x1C02  }
0xe4: {  	[timem:s3], [sflag:s2] =	dma.local @!p0 [hbm:s0], s1  }
0xe5: {  	s0 =	simm.s32 @!p0 $0x2  }
0xe6: {  	_ =	swait.ge @!p0 [sflag:s0], s1  }
0xe7: {  	s1 =	ssub.s32 @!p0 $0x0, s1;
	[sflag:s0] =	ssyncset.done @!p0 $0x0  }
0xe8: {  	[sflag:s0] =	ssyncadd.s32 @!p0 s1  }
0xe9: {  	[bflag:$0x3] =	sbarrier.arrive $0xFFFF  }
0xea: {  	_ =	shalt  }

</sc_bundles>
